<compile_context>
chip_gen: v7x
topology: tpu7x:2x2x1
jax: 0.10.2.dev20260603
libtpu: 0.0.44.dev20260713+nightly
codegen_flags: <defaults>
</compile_context>

<pallas_src>
import jax
import jax.numpy as jnp
import numpy as np
from jax.experimental import pallas as pl

B, N, T, D_DYN = 2, 4096, 12, 2
HID = 64
HEADS = 4
DH = HID // HEADS
TOPK = 10
KPAD = 128
R1 = 256
R2 = 256
NEG = float("-inf")


def _topk_kernel(a_ref, vals_ref, idx_ref):
    acc = a_ref[0]
    col = jax.lax.broadcasted_iota(jnp.int32, (R1, N), 1)
    lane = jax.lax.broadcasted_iota(jnp.int32, (R1, KPAD), 1)
    vals = jnp.zeros((R1, KPAD), dtype=jnp.float32)
    idxs = jnp.zeros((R1, KPAD), dtype=jnp.int32)
    work = acc
    for kk in range(TOPK):
        m = jnp.max(work, axis=-1, keepdims=True)
        am = jnp.min(jnp.where(work == m, col, N), axis=-1, keepdims=True)
        vals = jnp.where(lane == kk, m, vals)
        idxs = jnp.where(lane == kk, am, idxs)
        work = jnp.where(col == am, NEG, work)
    vals_ref[0] = vals
    idx_ref[0] = idxs


def _transpose_kernel(vals_ref, idx_ref, vals_t_ref, idx_t_ref):
    vals_t_ref[0] = vals_ref[0].T
    idx_t_ref[0] = idx_ref[0].T


def _scatter_kernel(vals_ref, idx_ref, vals_t_ref, idx_t_ref, a_ref, l_ref):
    i = pl.program_id(1)
    r0 = i * R2
    col = jax.lax.broadcasted_iota(jnp.int32, (R2, N), 1)
    rowv = r0 + jax.lax.broadcasted_iota(jnp.int32, (R2, 1), 0)
    acc = jnp.zeros((R2, N), dtype=jnp.float32)
    for kk in range(TOPK):
        ri = idx_ref[0, :, kk : kk + 1]
        rv = vals_ref[0, :, kk : kk + 1]
        acc = acc + jnp.where(col == ri, rv, 0.0)
        ci = idx_t_ref[0, kk : kk + 1, :]
        cv = vals_t_ref[0, kk : kk + 1, :]
        acc = acc + jnp.where(ci == rowv, cv, 0.0)
    acc = acc * 0.5
    deg = jnp.sum(acc, axis=-1, keepdims=True)
    diag = col == rowv
    a_ref[0] = acc
    l_ref[0] = jnp.where(diag, deg, 0.0) - acc


def kernel(x_dyn, W1, b1, Wq, Wk):
    h = jax.nn.relu(jnp.einsum('bntd,dh->bnth', x_dyn, W1) + b1)
    h = h.mean(axis=2)
    q = (h @ Wq).reshape(B, N, HEADS, DH).transpose(0, 2, 1, 3)
    k = (h @ Wk).reshape(B, N, HEADS, DH).transpose(0, 2, 1, 3)
    scores = jnp.einsum('bhnd,bhmd->bhnm', q, k) / np.sqrt(DH)
    attn = jax.nn.softmax(scores, axis=-1)
    A_learn = attn.mean(axis=1)

    vals, idxs = pl.pallas_call(
        _topk_kernel,
        grid=(B, N // R1),
        in_specs=[pl.BlockSpec((1, R1, N), lambda b, i: (b, i, 0))],
        out_specs=[
            pl.BlockSpec((1, R1, KPAD), lambda b, i: (b, i, 0)),
            pl.BlockSpec((1, R1, KPAD), lambda b, i: (b, i, 0)),
        ],
        out_shape=[
            jax.ShapeDtypeStruct((B, N, KPAD), jnp.float32),
            jax.ShapeDtypeStruct((B, N, KPAD), jnp.int32),
        ],
    )(A_learn)

    vals_t, idx_t = pl.pallas_call(
        _transpose_kernel,
        grid=(B,),
        in_specs=[
            pl.BlockSpec((1, N, KPAD), lambda b: (b, 0, 0)),
            pl.BlockSpec((1, N, KPAD), lambda b: (b, 0, 0)),
        ],
        out_specs=[
            pl.BlockSpec((1, KPAD, N), lambda b: (b, 0, 0)),
            pl.BlockSpec((1, KPAD, N), lambda b: (b, 0, 0)),
        ],
        out_shape=[
            jax.ShapeDtypeStruct((B, KPAD, N), jnp.float32),
            jax.ShapeDtypeStruct((B, KPAD, N), jnp.int32),
        ],
    )(vals, idxs)

    A_final, L = pl.pallas_call(
        _scatter_kernel,
        grid=(B, N // R2),
        in_specs=[
            pl.BlockSpec((1, R2, KPAD), lambda b, i: (b, i, 0)),
            pl.BlockSpec((1, R2, KPAD), lambda b, i: (b, i, 0)),
            pl.BlockSpec((1, KPAD, N), lambda b, i: (b, 0, 0)),
            pl.BlockSpec((1, KPAD, N), lambda b, i: (b, 0, 0)),
        ],
        out_specs=[
            pl.BlockSpec((1, R2, N), lambda b, i: (b, i, 0)),
            pl.BlockSpec((1, R2, N), lambda b, i: (b, i, 0)),
        ],
        out_shape=[
            jax.ShapeDtypeStruct((B, N, N), jnp.float32),
            jax.ShapeDtypeStruct((B, N, N), jnp.float32),
        ],
    )(vals, idxs, vals_t, idx_t)

    return (L, A_final)

# --- scband reference (transcript-rebuilt; emitter-appended) ---
"""Pipeline reference for scband-graph-learner-88373247082872 (READ-ONLY COPY).

The authoritative reference and input builder live on the scoring server;
editing this copy changes nothing except your own understanding.
"""

import jax, jax.numpy as jnp
import numpy as np

B, N, T, D_DYN = 2, 4096, 12, 2
HID = 64
HEADS = 4
TOPK = 10


def setup_inputs(seed: int = 0) -> dict:
    key = jax.random.key(seed)
    ks = jax.random.split(key, 5)
    x_dyn = jax.random.normal(ks[0], (B, N, T, D_DYN), dtype=jnp.float32)
    W1 = jax.random.normal(ks[1], (D_DYN, HID), dtype=jnp.float32) * 0.1
    b1 = jnp.zeros((HID,), dtype=jnp.float32)
    Wq = jax.random.normal(ks[2], (HID, HID), dtype=jnp.float32) * 0.1
    Wk = jax.random.normal(ks[3], (HID, HID), dtype=jnp.float32) * 0.1
    return {"x_dyn": x_dyn, "W1": W1, "b1": b1, "Wq": Wq, "Wk": Wk}


def _forward(x_dyn, W1, b1, Wq, Wk):
    B_, N_, T_, _ = x_dyn.shape
    dh = HID // HEADS
    # TemporalEncoder: per-timestep linear + ReLU, mean-pool over time
    h = jax.nn.relu(jnp.einsum('bntd,dh->bnth', x_dyn, W1) + b1)
    h = h.mean(axis=2)  # (B, N, HID)
    # GraphAttention: multi-head scaled dot-product scores, softmax per row, mean over heads
    q = (h @ Wq).reshape(B_, N_, HEADS, dh).transpose(0, 2, 1, 3)
    k = (h @ Wk).reshape(B_, N_, HEADS, dh).transpose(0, 2, 1, 3)
    scores = jnp.einsum('bhnd,bhmd->bhnm', q, k) / np.sqrt(dh)
    attn = jax.nn.softmax(scores, axis=-1)
    A_learn = attn.mean(axis=1)  # (B, N, N)
    # top-k sparsification + scatter mask
    _, topk_inds = jax.lax.top_k(A_learn, TOPK)
    mask = jnp.zeros_like(A_learn)
    b_idx = jnp.arange(B_)[:, None, None]
    n_idx = jnp.arange(N_)[None, :, None]
    mask = mask.at[b_idx, n_idx, topk_inds].set(1.0)
    A_sparse = A_learn * mask
    A_final = (A_sparse + jnp.swapaxes(A_sparse, 1, 2)) / 2.0
    # Laplacian L = D - A
    degree = A_final.sum(axis=-1)  # (B, N)
    D = jnp.einsum('bn,nm->bnm', degree, jnp.eye(N_, dtype=A_final.dtype))
    L = D - A_final
    return (L, A_final)


def reference(x_dyn, W1, b1, Wq, Wk):
    return _forward(x_dyn, W1, b1, Wq, Wk)

if __name__ == "__main__":
    import jax
    _d = setup_inputs()
    print(jax.jit(kernel)(*tuple(_d.values())))

</pallas_src>

<mosaic_0001>
module attributes {stable_mosaic.version = 14 : i64} {
  func.func @_topk_kernel(%arg0: i32, %arg1: i32, %arg2: memref<1x256x4096xf32, #tpu.memory_space<vmem>>, %arg3: memref<1x256x128xf32, #tpu.memory_space<vmem>>, %arg4: memref<1x256x128xi32, #tpu.memory_space<vmem>>) attributes {dimension_semantics = [#tpu.dimension_semantics<arbitrary>, #tpu.dimension_semantics<arbitrary>], iteration_bounds = array<i64: 2, 16>, scalar_prefetch = 0 : i64, scratch_operands = 0 : i64, tpu.core_type = #tpu.core_type<tc>, window_params = [{transform_indices = @transform_0, window_bounds = array<i64: 1, 256, 4096>}, {transform_indices = @transform_1, window_bounds = array<i64: 1, 256, 128>}, {transform_indices = @transform_2, window_bounds = array<i64: 1, 256, 128>}]} {
    %get3A = arith.constant 0 : index
    %get3A_0 = arith.constant 0 : index
    %get3A_1 = arith.constant 0 : index
    %get3A_2 = vector.load %arg2[%get3A, %get3A_0, %get3A_1] : memref<1x256x4096xf32, #tpu.memory_space<vmem>>, vector<1x256x4096xf32>
    %get3A_3 = vector.shape_cast %get3A_2 : vector<1x256x4096xf32> to vector<256x4096xf32>
    %iota3A = tpu.iota {dimensions = array<i32: 1>} : vector<256x4096xi32>
    %iota3A_4 = tpu.iota {dimensions = array<i32: 1>} : vector<256x128xi32>
    %broadcast_in_dim3A = arith.constant 0.000000e+00 : f32
    %broadcast_in_dim3A_5 = vector.broadcast %broadcast_in_dim3A : f32 to vector<256x128xf32>
    %broadcast_in_dim3A_6 = arith.constant 0 : i32
    %broadcast_in_dim3A_7 = vector.broadcast %broadcast_in_dim3A_6 : i32 to vector<256x128xi32>
    %reduce_max3A = arith.constant dense<0xFF800000> : vector<256xf32>
    %reduce_max3A_8 = vector.multi_reduction <maximumf>, %get3A_3, %reduce_max3A [1] : vector<256x4096xf32> to vector<256xf32>
    %broadcast_in_dim3A_9 = vector.shape_cast %reduce_max3A_8 : vector<256xf32> to vector<256x1xf32>
    %eq3A = vector.broadcast %broadcast_in_dim3A_9 : vector<256x1xf32> to vector<256x4096xf32>
    %eq3A_10 = arith.cmpf oeq, %get3A_3, %eq3A : vector<256x4096xf32>
    %jit3A = arith.constant 4096 : i32
    %broadcast_in_dim3A_11 = vector.broadcast %jit3A : i32 to vector<256x4096xi32>
    %select_n3A = arith.select %eq3A_10, %iota3A, %broadcast_in_dim3A_11 : vector<256x4096xi1>, vector<256x4096xi32>
    %reduce_min3A = arith.constant dense<2147483647> : vector<256xi32>
    %reduce_min3A_12 = vector.multi_reduction <minsi>, %select_n3A, %reduce_min3A [1] : vector<256x4096xi32> to vector<256xi32>
    %broadcast_in_dim3A_13 = vector.shape_cast %reduce_min3A_12 : vector<256xi32> to vector<256x1xi32>
    %eq3A_14 = arith.constant 0 : i32
    %eq3A_15 = vector.broadcast %eq3A_14 : i32 to vector<256x128xi32>
    %eq3A_16 = arith.cmpi eq, %iota3A_4, %eq3A_15 : vector<256x128xi32>
    %broadcast_in_dim3A_17 = vector.shape_cast %broadcast_in_dim3A_9 : vector<256x1xf32> to vector<256x1xf32>
    %broadcast_in_dim3A_18 = vector.broadcast %broadcast_in_dim3A_17 : vector<256x1xf32> to vector<256x128xf32>
    %select_n3A_19 = arith.select %eq3A_16, %broadcast_in_dim3A_18, %broadcast_in_dim3A_5 : vector<256x128xi1>, vector<256x128xf32>
    %eq3A_20 = arith.constant 0 : i32
    %eq3A_21 = vector.broadcast %eq3A_20 : i32 to vector<256x128xi32>
    %eq3A_22 = arith.cmpi eq, %iota3A_4, %eq3A_21 : vector<256x128xi32>
    %broadcast_in_dim3A_23 = vector.shape_cast %broadcast_in_dim3A_13 : vector<256x1xi32> to vector<256x1xi32>
    %broadcast_in_dim3A_24 = vector.broadcast %broadcast_in_dim3A_23 : vector<256x1xi32> to vector<256x128xi32>
    %select_n3A_25 = arith.select %eq3A_22, %broadcast_in_dim3A_24, %broadcast_in_dim3A_7 : vector<256x128xi1>, vector<256x128xi32>
    %eq3A_26 = vector.broadcast %broadcast_in_dim3A_13 : vector<256x1xi32> to vector<256x4096xi32>
    %eq3A_27 = arith.cmpi eq, %iota3A, %eq3A_26 : vector<256x4096xi32>
    %jit3A_28 = arith.constant 0xFF800000 : f32
    %broadcast_in_dim3A_29 = vector.broadcast %jit3A_28 : f32 to vector<256x4096xf32>
    %select_n3A_30 = arith.select %eq3A_27, %broadcast_in_dim3A_29, %get3A_3 : vector<256x4096xi1>, vector<256x4096xf32>
    %reduce_max3A_31 = arith.constant dense<0xFF800000> : vector<256xf32>
    %reduce_max3A_32 = vector.multi_reduction <maximumf>, %select_n3A_30, %reduce_max3A_31 [1] : vector<256x4096xf32> to vector<256xf32>
    %broadcast_in_dim3A_33 = vector.shape_cast %reduce_max3A_32 : vector<256xf32> to vector<256x1xf32>
    %eq3A_34 = vector.broadcast %broadcast_in_dim3A_33 : vector<256x1xf32> to vector<256x4096xf32>
    %eq3A_35 = arith.cmpf oeq, %select_n3A_30, %eq3A_34 : vector<256x4096xf32>
    %jit3A_36 = arith.constant 4096 : i32
    %broadcast_in_dim3A_37 = vector.broadcast %jit3A_36 : i32 to vector<256x4096xi32>
    %select_n3A_38 = arith.select %eq3A_35, %iota3A, %broadcast_in_dim3A_37 : vector<256x4096xi1>, vector<256x4096xi32>
    %reduce_min3A_39 = arith.constant dense<2147483647> : vector<256xi32>
    %reduce_min3A_40 = vector.multi_reduction <minsi>, %select_n3A_38, %reduce_min3A_39 [1] : vector<256x4096xi32> to vector<256xi32>
    %broadcast_in_dim3A_41 = vector.shape_cast %reduce_min3A_40 : vector<256xi32> to vector<256x1xi32>
    %eq3A_42 = arith.constant 1 : i32
    %eq3A_43 = vector.broadcast %eq3A_42 : i32 to vector<256x128xi32>
    %eq3A_44 = arith.cmpi eq, %iota3A_4, %eq3A_43 : vector<256x128xi32>
    %broadcast_in_dim3A_45 = vector.shape_cast %broadcast_in_dim3A_33 : vector<256x1xf32> to vector<256x1xf32>
    %broadcast_in_dim3A_46 = vector.broadcast %broadcast_in_dim3A_45 : vector<256x1xf32> to vector<256x128xf32>
    %select_n3A_47 = arith.select %eq3A_44, %broadcast_in_dim3A_46, %select_n3A_19 : vector<256x128xi1>, vector<256x128xf32>
    %eq3A_48 = arith.constant 1 : i32
    %eq3A_49 = vector.broadcast %eq3A_48 : i32 to vector<256x128xi32>
    %eq3A_50 = arith.cmpi eq, %iota3A_4, %eq3A_49 : vector<256x128xi32>
    %broadcast_in_dim3A_51 = vector.shape_cast %broadcast_in_dim3A_41 : vector<256x1xi32> to vector<256x1xi32>
    %broadcast_in_dim3A_52 = vector.broadcast %broadcast_in_dim3A_51 : vector<256x1xi32> to vector<256x128xi32>
    %select_n3A_53 = arith.select %eq3A_50, %broadcast_in_dim3A_52, %select_n3A_25 : vector<256x128xi1>, vector<256x128xi32>
    %eq3A_54 = vector.broadcast %broadcast_in_dim3A_41 : vector<256x1xi32> to vector<256x4096xi32>
    %eq3A_55 = arith.cmpi eq, %iota3A, %eq3A_54 : vector<256x4096xi32>
    %jit3A_56 = arith.constant 0xFF800000 : f32
    %broadcast_in_dim3A_57 = vector.broadcast %jit3A_56 : f32 to vector<256x4096xf32>
    %select_n3A_58 = arith.select %eq3A_55, %broadcast_in_dim3A_57, %select_n3A_30 : vector<256x4096xi1>, vector<256x4096xf32>
    %reduce_max3A_59 = arith.constant dense<0xFF800000> : vector<256xf32>
    %reduce_max3A_60 = vector.multi_reduction <maximumf>, %select_n3A_58, %reduce_max3A_59 [1] : vector<256x4096xf32> to vector<256xf32>
    %broadcast_in_dim3A_61 = vector.shape_cast %reduce_max3A_60 : vector<256xf32> to vector<256x1xf32>
    %eq3A_62 = vector.broadcast %broadcast_in_dim3A_61 : vector<256x1xf32> to vector<256x4096xf32>
    %eq3A_63 = arith.cmpf oeq, %select_n3A_58, %eq3A_62 : vector<256x4096xf32>
    %jit3A_64 = arith.constant 4096 : i32
    %broadcast_in_dim3A_65 = vector.broadcast %jit3A_64 : i32 to vector<256x4096xi32>
    %select_n3A_66 = arith.select %eq3A_63, %iota3A, %broadcast_in_dim3A_65 : vector<256x4096xi1>, vector<256x4096xi32>
    %reduce_min3A_67 = arith.constant dense<2147483647> : vector<256xi32>
    %reduce_min3A_68 = vector.multi_reduction <minsi>, %select_n3A_66, %reduce_min3A_67 [1] : vector<256x4096xi32> to vector<256xi32>
    %broadcast_in_dim3A_69 = vector.shape_cast %reduce_min3A_68 : vector<256xi32> to vector<256x1xi32>
    %eq3A_70 = arith.constant 2 : i32
    %eq3A_71 = vector.broadcast %eq3A_70 : i32 to vector<256x128xi32>
    %eq3A_72 = arith.cmpi eq, %iota3A_4, %eq3A_71 : vector<256x128xi32>
    %broadcast_in_dim3A_73 = vector.shape_cast %broadcast_in_dim3A_61 : vector<256x1xf32> to vector<256x1xf32>
    %broadcast_in_dim3A_74 = vector.broadcast %broadcast_in_dim3A_73 : vector<256x1xf32> to vector<256x128xf32>
    %select_n3A_75 = arith.select %eq3A_72, %broadcast_in_dim3A_74, %select_n3A_47 : vector<256x128xi1>, vector<256x128xf32>
    %eq3A_76 = arith.constant 2 : i32
    %eq3A_77 = vector.broadcast %eq3A_76 : i32 to vector<256x128xi32>
    %eq3A_78 = arith.cmpi eq, %iota3A_4, %eq3A_77 : vector<256x128xi32>
    %broadcast_in_dim3A_79 = vector.shape_cast %broadcast_in_dim3A_69 : vector<256x1xi32> to vector<256x1xi32>
    %broadcast_in_dim3A_80 = vector.broadcast %broadcast_in_dim3A_79 : vector<256x1xi32> to vector<256x128xi32>
    %select_n3A_81 = arith.select %eq3A_78, %broadcast_in_dim3A_80, %select_n3A_53 : vector<256x128xi1>, vector<256x128xi32>
    %eq3A_82 = vector.broadcast %broadcast_in_dim3A_69 : vector<256x1xi32> to vector<256x4096xi32>
    %eq3A_83 = arith.cmpi eq, %iota3A, %eq3A_82 : vector<256x4096xi32>
    %jit3A_84 = arith.constant 0xFF800000 : f32
    %broadcast_in_dim3A_85 = vector.broadcast %jit3A_84 : f32 to vector<256x4096xf32>
    %select_n3A_86 = arith.select %eq3A_83, %broadcast_in_dim3A_85, %select_n3A_58 : vector<256x4096xi1>, vector<256x4096xf32>
    %reduce_max3A_87 = arith.constant dense<0xFF800000> : vector<256xf32>
    %reduce_max3A_88 = vector.multi_reduction <maximumf>, %select_n3A_86, %reduce_max3A_87 [1] : vector<256x4096xf32> to vector<256xf32>
    %broadcast_in_dim3A_89 = vector.shape_cast %reduce_max3A_88 : vector<256xf32> to vector<256x1xf32>
    %eq3A_90 = vector.broadcast %broadcast_in_dim3A_89 : vector<256x1xf32> to vector<256x4096xf32>
    %eq3A_91 = arith.cmpf oeq, %select_n3A_86, %eq3A_90 : vector<256x4096xf32>
    %jit3A_92 = arith.constant 4096 : i32
    %broadcast_in_dim3A_93 = vector.broadcast %jit3A_92 : i32 to vector<256x4096xi32>
    %select_n3A_94 = arith.select %eq3A_91, %iota3A, %broadcast_in_dim3A_93 : vector<256x4096xi1>, vector<256x4096xi32>
    %reduce_min3A_95 = arith.constant dense<2147483647> : vector<256xi32>
    %reduce_min3A_96 = vector.multi_reduction <minsi>, %select_n3A_94, %reduce_min3A_95 [1] : vector<256x4096xi32> to vector<256xi32>
    %broadcast_in_dim3A_97 = vector.shape_cast %reduce_min3A_96 : vector<256xi32> to vector<256x1xi32>
    %eq3A_98 = arith.constant 3 : i32
    %eq3A_99 = vector.broadcast %eq3A_98 : i32 to vector<256x128xi32>
    %eq3A_100 = arith.cmpi eq, %iota3A_4, %eq3A_99 : vector<256x128xi32>
    %broadcast_in_dim3A_101 = vector.shape_cast %broadcast_in_dim3A_89 : vector<256x1xf32> to vector<256x1xf32>
    %broadcast_in_dim3A_102 = vector.broadcast %broadcast_in_dim3A_101 : vector<256x1xf32> to vector<256x128xf32>
    %select_n3A_103 = arith.select %eq3A_100, %broadcast_in_dim3A_102, %select_n3A_75 : vector<256x128xi1>, vector<256x128xf32>
    %eq3A_104 = arith.constant 3 : i32
    %eq3A_105 = vector.broadcast %eq3A_104 : i32 to vector<256x128xi32>
    %eq3A_106 = arith.cmpi eq, %iota3A_4, %eq3A_105 : vector<256x128xi32>
    %broadcast_in_dim3A_107 = vector.shape_cast %broadcast_in_dim3A_97 : vector<256x1xi32> to vector<256x1xi32>
    %broadcast_in_dim3A_108 = vector.broadcast %broadcast_in_dim3A_107 : vector<256x1xi32> to vector<256x128xi32>
    %select_n3A_109 = arith.select %eq3A_106, %broadcast_in_dim3A_108, %select_n3A_81 : vector<256x128xi1>, vector<256x128xi32>
    %eq3A_110 = vector.broadcast %broadcast_in_dim3A_97 : vector<256x1xi32> to vector<256x4096xi32>
    %eq3A_111 = arith.cmpi eq, %iota3A, %eq3A_110 : vector<256x4096xi32>
    %jit3A_112 = arith.constant 0xFF800000 : f32
    %broadcast_in_dim3A_113 = vector.broadcast %jit3A_112 : f32 to vector<256x4096xf32>
    %select_n3A_114 = arith.select %eq3A_111, %broadcast_in_dim3A_113, %select_n3A_86 : vector<256x4096xi1>, vector<256x4096xf32>
    %reduce_max3A_115 = arith.constant dense<0xFF800000> : vector<256xf32>
    %reduce_max3A_116 = vector.multi_reduction <maximumf>, %select_n3A_114, %reduce_max3A_115 [1] : vector<256x4096xf32> to vector<256xf32>
    %broadcast_in_dim3A_117 = vector.shape_cast %reduce_max3A_116 : vector<256xf32> to vector<256x1xf32>
    %eq3A_118 = vector.broadcast %broadcast_in_dim3A_117 : vector<256x1xf32> to vector<256x4096xf32>
    %eq3A_119 = arith.cmpf oeq, %select_n3A_114, %eq3A_118 : vector<256x4096xf32>
    %jit3A_120 = arith.constant 4096 : i32
    %broadcast_in_dim3A_121 = vector.broadcast %jit3A_120 : i32 to vector<256x4096xi32>
    %select_n3A_122 = arith.select %eq3A_119, %iota3A, %broadcast_in_dim3A_121 : vector<256x4096xi1>, vector<256x4096xi32>
    %reduce_min3A_123 = arith.constant dense<2147483647> : vector<256xi32>
    %reduce_min3A_124 = vector.multi_reduction <minsi>, %select_n3A_122, %reduce_min3A_123 [1] : vector<256x4096xi32> to vector<256xi32>
    %broadcast_in_dim3A_125 = vector.shape_cast %reduce_min3A_124 : vector<256xi32> to vector<256x1xi32>
    %eq3A_126 = arith.constant 4 : i32
    %eq3A_127 = vector.broadcast %eq3A_126 : i32 to vector<256x128xi32>
    %eq3A_128 = arith.cmpi eq, %iota3A_4, %eq3A_127 : vector<256x128xi32>
    %broadcast_in_dim3A_129 = vector.shape_cast %broadcast_in_dim3A_117 : vector<256x1xf32> to vector<256x1xf32>
    %broadcast_in_dim3A_130 = vector.broadcast %broadcast_in_dim3A_129 : vector<256x1xf32> to vector<256x128xf32>
    %select_n3A_131 = arith.select %eq3A_128, %broadcast_in_dim3A_130, %select_n3A_103 : vector<256x128xi1>, vector<256x128xf32>
    %eq3A_132 = arith.constant 4 : i32
    %eq3A_133 = vector.broadcast %eq3A_132 : i32 to vector<256x128xi32>
    %eq3A_134 = arith.cmpi eq, %iota3A_4, %eq3A_133 : vector<256x128xi32>
    %broadcast_in_dim3A_135 = vector.shape_cast %broadcast_in_dim3A_125 : vector<256x1xi32> to vector<256x1xi32>
    %broadcast_in_dim3A_136 = vector.broadcast %broadcast_in_dim3A_135 : vector<256x1xi32> to vector<256x128xi32>
    %select_n3A_137 = arith.select %eq3A_134, %broadcast_in_dim3A_136, %select_n3A_109 : vector<256x128xi1>, vector<256x128xi32>
    %eq3A_138 = vector.broadcast %broadcast_in_dim3A_125 : vector<256x1xi32> to vector<256x4096xi32>
    %eq3A_139 = arith.cmpi eq, %iota3A, %eq3A_138 : vector<256x4096xi32>
    %jit3A_140 = arith.constant 0xFF800000 : f32
    %broadcast_in_dim3A_141 = vector.broadcast %jit3A_140 : f32 to vector<256x4096xf32>
    %select_n3A_142 = arith.select %eq3A_139, %broadcast_in_dim3A_141, %select_n3A_114 : vector<256x4096xi1>, vector<256x4096xf32>
    %reduce_max3A_143 = arith.constant dense<0xFF800000> : vector<256xf32>
    %reduce_max3A_144 = vector.multi_reduction <maximumf>, %select_n3A_142, %reduce_max3A_143 [1] : vector<256x4096xf32> to vector<256xf32>
    %broadcast_in_dim3A_145 = vector.shape_cast %reduce_max3A_144 : vector<256xf32> to vector<256x1xf32>
    %eq3A_146 = vector.broadcast %broadcast_in_dim3A_145 : vector<256x1xf32> to vector<256x4096xf32>
    %eq3A_147 = arith.cmpf oeq, %select_n3A_142, %eq3A_146 : vector<256x4096xf32>
    %jit3A_148 = arith.constant 4096 : i32
    %broadcast_in_dim3A_149 = vector.broadcast %jit3A_148 : i32 to vector<256x4096xi32>
    %select_n3A_150 = arith.select %eq3A_147, %iota3A, %broadcast_in_dim3A_149 : vector<256x4096xi1>, vector<256x4096xi32>
    %reduce_min3A_151 = arith.constant dense<2147483647> : vector<256xi32>
    %reduce_min3A_152 = vector.multi_reduction <minsi>, %select_n3A_150, %reduce_min3A_151 [1] : vector<256x4096xi32> to vector<256xi32>
    %broadcast_in_dim3A_153 = vector.shape_cast %reduce_min3A_152 : vector<256xi32> to vector<256x1xi32>
    %eq3A_154 = arith.constant 5 : i32
    %eq3A_155 = vector.broadcast %eq3A_154 : i32 to vector<256x128xi32>
    %eq3A_156 = arith.cmpi eq, %iota3A_4, %eq3A_155 : vector<256x128xi32>
    %broadcast_in_dim3A_157 = vector.shape_cast %broadcast_in_dim3A_145 : vector<256x1xf32> to vector<256x1xf32>
    %broadcast_in_dim3A_158 = vector.broadcast %broadcast_in_dim3A_157 : vector<256x1xf32> to vector<256x128xf32>
    %select_n3A_159 = arith.select %eq3A_156, %broadcast_in_dim3A_158, %select_n3A_131 : vector<256x128xi1>, vector<256x128xf32>
    %eq3A_160 = arith.constant 5 : i32
    %eq3A_161 = vector.broadcast %eq3A_160 : i32 to vector<256x128xi32>
    %eq3A_162 = arith.cmpi eq, %iota3A_4, %eq3A_161 : vector<256x128xi32>
    %broadcast_in_dim3A_163 = vector.shape_cast %broadcast_in_dim3A_153 : vector<256x1xi32> to vector<256x1xi32>
    %broadcast_in_dim3A_164 = vector.broadcast %broadcast_in_dim3A_163 : vector<256x1xi32> to vector<256x128xi32>
    %select_n3A_165 = arith.select %eq3A_162, %broadcast_in_dim3A_164, %select_n3A_137 : vector<256x128xi1>, vector<256x128xi32>
    %eq3A_166 = vector.broadcast %broadcast_in_dim3A_153 : vector<256x1xi32> to vector<256x4096xi32>
    %eq3A_167 = arith.cmpi eq, %iota3A, %eq3A_166 : vector<256x4096xi32>
    %jit3A_168 = arith.constant 0xFF800000 : f32
    %broadcast_in_dim3A_169 = vector.broadcast %jit3A_168 : f32 to vector<256x4096xf32>
    %select_n3A_170 = arith.select %eq3A_167, %broadcast_in_dim3A_169, %select_n3A_142 : vector<256x4096xi1>, vector<256x4096xf32>
    %reduce_max3A_171 = arith.constant dense<0xFF800000> : vector<256xf32>
    %reduce_max3A_172 = vector.multi_reduction <maximumf>, %select_n3A_170, %reduce_max3A_171 [1] : vector<256x4096xf32> to vector<256xf32>
    %broadcast_in_dim3A_173 = vector.shape_cast %reduce_max3A_172 : vector<256xf32> to vector<256x1xf32>
    %eq3A_174 = vector.broadcast %broadcast_in_dim3A_173 : vector<256x1xf32> to vector<256x4096xf32>
    %eq3A_175 = arith.cmpf oeq, %select_n3A_170, %eq3A_174 : vector<256x4096xf32>
    %jit3A_176 = arith.constant 4096 : i32
    %broadcast_in_dim3A_177 = vector.broadcast %jit3A_176 : i32 to vector<256x4096xi32>
    %select_n3A_178 = arith.select %eq3A_175, %iota3A, %broadcast_in_dim3A_177 : vector<256x4096xi1>, vector<256x4096xi32>
    %reduce_min3A_179 = arith.constant dense<2147483647> : vector<256xi32>
    %reduce_min3A_180 = vector.multi_reduction <minsi>, %select_n3A_178, %reduce_min3A_179 [1] : vector<256x4096xi32> to vector<256xi32>
    %broadcast_in_dim3A_181 = vector.shape_cast %reduce_min3A_180 : vector<256xi32> to vector<256x1xi32>
    %eq3A_182 = arith.constant 6 : i32
    %eq3A_183 = vector.broadcast %eq3A_182 : i32 to vector<256x128xi32>
    %eq3A_184 = arith.cmpi eq, %iota3A_4, %eq3A_183 : vector<256x128xi32>
    %broadcast_in_dim3A_185 = vector.shape_cast %broadcast_in_dim3A_173 : vector<256x1xf32> to vector<256x1xf32>
    %broadcast_in_dim3A_186 = vector.broadcast %broadcast_in_dim3A_185 : vector<256x1xf32> to vector<256x128xf32>
    %select_n3A_187 = arith.select %eq3A_184, %broadcast_in_dim3A_186, %select_n3A_159 : vector<256x128xi1>, vector<256x128xf32>
    %eq3A_188 = arith.constant 6 : i32
    %eq3A_189 = vector.broadcast %eq3A_188 : i32 to vector<256x128xi32>
    %eq3A_190 = arith.cmpi eq, %iota3A_4, %eq3A_189 : vector<256x128xi32>
    %broadcast_in_dim3A_191 = vector.shape_cast %broadcast_in_dim3A_181 : vector<256x1xi32> to vector<256x1xi32>
    %broadcast_in_dim3A_192 = vector.broadcast %broadcast_in_dim3A_191 : vector<256x1xi32> to vector<256x128xi32>
    %select_n3A_193 = arith.select %eq3A_190, %broadcast_in_dim3A_192, %select_n3A_165 : vector<256x128xi1>, vector<256x128xi32>
    %eq3A_194 = vector.broadcast %broadcast_in_dim3A_181 : vector<256x1xi32> to vector<256x4096xi32>
    %eq3A_195 = arith.cmpi eq, %iota3A, %eq3A_194 : vector<256x4096xi32>
    %jit3A_196 = arith.constant 0xFF800000 : f32
    %broadcast_in_dim3A_197 = vector.broadcast %jit3A_196 : f32 to vector<256x4096xf32>
    %select_n3A_198 = arith.select %eq3A_195, %broadcast_in_dim3A_197, %select_n3A_170 : vector<256x4096xi1>, vector<256x4096xf32>
    %reduce_max3A_199 = arith.constant dense<0xFF800000> : vector<256xf32>
    %reduce_max3A_200 = vector.multi_reduction <maximumf>, %select_n3A_198, %reduce_max3A_199 [1] : vector<256x4096xf32> to vector<256xf32>
    %broadcast_in_dim3A_201 = vector.shape_cast %reduce_max3A_200 : vector<256xf32> to vector<256x1xf32>
    %eq3A_202 = vector.broadcast %broadcast_in_dim3A_201 : vector<256x1xf32> to vector<256x4096xf32>
    %eq3A_203 = arith.cmpf oeq, %select_n3A_198, %eq3A_202 : vector<256x4096xf32>
    %jit3A_204 = arith.constant 4096 : i32
    %broadcast_in_dim3A_205 = vector.broadcast %jit3A_204 : i32 to vector<256x4096xi32>
    %select_n3A_206 = arith.select %eq3A_203, %iota3A, %broadcast_in_dim3A_205 : vector<256x4096xi1>, vector<256x4096xi32>
    %reduce_min3A_207 = arith.constant dense<2147483647> : vector<256xi32>
    %reduce_min3A_208 = vector.multi_reduction <minsi>, %select_n3A_206, %reduce_min3A_207 [1] : vector<256x4096xi32> to vector<256xi32>
    %broadcast_in_dim3A_209 = vector.shape_cast %reduce_min3A_208 : vector<256xi32> to vector<256x1xi32>
    %eq3A_210 = arith.constant 7 : i32
    %eq3A_211 = vector.broadcast %eq3A_210 : i32 to vector<256x128xi32>
    %eq3A_212 = arith.cmpi eq, %iota3A_4, %eq3A_211 : vector<256x128xi32>
    %broadcast_in_dim3A_213 = vector.shape_cast %broadcast_in_dim3A_201 : vector<256x1xf32> to vector<256x1xf32>
    %broadcast_in_dim3A_214 = vector.broadcast %broadcast_in_dim3A_213 : vector<256x1xf32> to vector<256x128xf32>
    %select_n3A_215 = arith.select %eq3A_212, %broadcast_in_dim3A_214, %select_n3A_187 : vector<256x128xi1>, vector<256x128xf32>
    %eq3A_216 = arith.constant 7 : i32
    %eq3A_217 = vector.broadcast %eq3A_216 : i32 to vector<256x128xi32>
    %eq3A_218 = arith.cmpi eq, %iota3A_4, %eq3A_217 : vector<256x128xi32>
    %broadcast_in_dim3A_219 = vector.shape_cast %broadcast_in_dim3A_209 : vector<256x1xi32> to vector<256x1xi32>
    %broadcast_in_dim3A_220 = vector.broadcast %broadcast_in_dim3A_219 : vector<256x1xi32> to vector<256x128xi32>
    %select_n3A_221 = arith.select %eq3A_218, %broadcast_in_dim3A_220, %select_n3A_193 : vector<256x128xi1>, vector<256x128xi32>
    %eq3A_222 = vector.broadcast %broadcast_in_dim3A_209 : vector<256x1xi32> to vector<256x4096xi32>
    %eq3A_223 = arith.cmpi eq, %iota3A, %eq3A_222 : vector<256x4096xi32>
    %jit3A_224 = arith.constant 0xFF800000 : f32
    %broadcast_in_dim3A_225 = vector.broadcast %jit3A_224 : f32 to vector<256x4096xf32>
    %select_n3A_226 = arith.select %eq3A_223, %broadcast_in_dim3A_225, %select_n3A_198 : vector<256x4096xi1>, vector<256x4096xf32>
    %reduce_max3A_227 = arith.constant dense<0xFF800000> : vector<256xf32>
    %reduce_max3A_228 = vector.multi_reduction <maximumf>, %select_n3A_226, %reduce_max3A_227 [1] : vector<256x4096xf32> to vector<256xf32>
    %broadcast_in_dim3A_229 = vector.shape_cast %reduce_max3A_228 : vector<256xf32> to vector<256x1xf32>
    %eq3A_230 = vector.broadcast %broadcast_in_dim3A_229 : vector<256x1xf32> to vector<256x4096xf32>
    %eq3A_231 = arith.cmpf oeq, %select_n3A_226, %eq3A_230 : vector<256x4096xf32>
    %jit3A_232 = arith.constant 4096 : i32
    %broadcast_in_dim3A_233 = vector.broadcast %jit3A_232 : i32 to vector<256x4096xi32>
    %select_n3A_234 = arith.select %eq3A_231, %iota3A, %broadcast_in_dim3A_233 : vector<256x4096xi1>, vector<256x4096xi32>
    %reduce_min3A_235 = arith.constant dense<2147483647> : vector<256xi32>
    %reduce_min3A_236 = vector.multi_reduction <minsi>, %select_n3A_234, %reduce_min3A_235 [1] : vector<256x4096xi32> to vector<256xi32>
    %broadcast_in_dim3A_237 = vector.shape_cast %reduce_min3A_236 : vector<256xi32> to vector<256x1xi32>
    %eq3A_238 = arith.constant 8 : i32
    %eq3A_239 = vector.broadcast %eq3A_238 : i32 to vector<256x128xi32>
    %eq3A_240 = arith.cmpi eq, %iota3A_4, %eq3A_239 : vector<256x128xi32>
    %broadcast_in_dim3A_241 = vector.shape_cast %broadcast_in_dim3A_229 : vector<256x1xf32> to vector<256x1xf32>
    %broadcast_in_dim3A_242 = vector.broadcast %broadcast_in_dim3A_241 : vector<256x1xf32> to vector<256x128xf32>
    %select_n3A_243 = arith.select %eq3A_240, %broadcast_in_dim3A_242, %select_n3A_215 : vector<256x128xi1>, vector<256x128xf32>
    %eq3A_244 = arith.constant 8 : i32
    %eq3A_245 = vector.broadcast %eq3A_244 : i32 to vector<256x128xi32>
    %eq3A_246 = arith.cmpi eq, %iota3A_4, %eq3A_245 : vector<256x128xi32>
    %broadcast_in_dim3A_247 = vector.shape_cast %broadcast_in_dim3A_237 : vector<256x1xi32> to vector<256x1xi32>
    %broadcast_in_dim3A_248 = vector.broadcast %broadcast_in_dim3A_247 : vector<256x1xi32> to vector<256x128xi32>
    %select_n3A_249 = arith.select %eq3A_246, %broadcast_in_dim3A_248, %select_n3A_221 : vector<256x128xi1>, vector<256x128xi32>
    %eq3A_250 = vector.broadcast %broadcast_in_dim3A_237 : vector<256x1xi32> to vector<256x4096xi32>
    %eq3A_251 = arith.cmpi eq, %iota3A, %eq3A_250 : vector<256x4096xi32>
    %jit3A_252 = arith.constant 0xFF800000 : f32
    %broadcast_in_dim3A_253 = vector.broadcast %jit3A_252 : f32 to vector<256x4096xf32>
    %select_n3A_254 = arith.select %eq3A_251, %broadcast_in_dim3A_253, %select_n3A_226 : vector<256x4096xi1>, vector<256x4096xf32>
    %reduce_max3A_255 = arith.constant dense<0xFF800000> : vector<256xf32>
    %reduce_max3A_256 = vector.multi_reduction <maximumf>, %select_n3A_254, %reduce_max3A_255 [1] : vector<256x4096xf32> to vector<256xf32>
    %broadcast_in_dim3A_257 = vector.shape_cast %reduce_max3A_256 : vector<256xf32> to vector<256x1xf32>
    %eq3A_258 = vector.broadcast %broadcast_in_dim3A_257 : vector<256x1xf32> to vector<256x4096xf32>
    %eq3A_259 = arith.cmpf oeq, %select_n3A_254, %eq3A_258 : vector<256x4096xf32>
    %jit3A_260 = arith.constant 4096 : i32
    %broadcast_in_dim3A_261 = vector.broadcast %jit3A_260 : i32 to vector<256x4096xi32>
    %select_n3A_262 = arith.select %eq3A_259, %iota3A, %broadcast_in_dim3A_261 : vector<256x4096xi1>, vector<256x4096xi32>
    %reduce_min3A_263 = arith.constant dense<2147483647> : vector<256xi32>
    %reduce_min3A_264 = vector.multi_reduction <minsi>, %select_n3A_262, %reduce_min3A_263 [1] : vector<256x4096xi32> to vector<256xi32>
    %broadcast_in_dim3A_265 = vector.shape_cast %reduce_min3A_264 : vector<256xi32> to vector<256x1xi32>
    %eq3A_266 = arith.constant 9 : i32
    %eq3A_267 = vector.broadcast %eq3A_266 : i32 to vector<256x128xi32>
    %eq3A_268 = arith.cmpi eq, %iota3A_4, %eq3A_267 : vector<256x128xi32>
    %broadcast_in_dim3A_269 = vector.shape_cast %broadcast_in_dim3A_257 : vector<256x1xf32> to vector<256x1xf32>
    %broadcast_in_dim3A_270 = vector.broadcast %broadcast_in_dim3A_269 : vector<256x1xf32> to vector<256x128xf32>
    %select_n3A_271 = arith.select %eq3A_268, %broadcast_in_dim3A_270, %select_n3A_243 : vector<256x128xi1>, vector<256x128xf32>
    %eq3A_272 = arith.constant 9 : i32
    %eq3A_273 = vector.broadcast %eq3A_272 : i32 to vector<256x128xi32>
    %eq3A_274 = arith.cmpi eq, %iota3A_4, %eq3A_273 : vector<256x128xi32>
    %broadcast_in_dim3A_275 = vector.shape_cast %broadcast_in_dim3A_265 : vector<256x1xi32> to vector<256x1xi32>
    %broadcast_in_dim3A_276 = vector.broadcast %broadcast_in_dim3A_275 : vector<256x1xi32> to vector<256x128xi32>
    %select_n3A_277 = arith.select %eq3A_274, %broadcast_in_dim3A_276, %select_n3A_249 : vector<256x128xi1>, vector<256x128xi32>
    %swap3A = arith.constant 0 : index
    %swap3A_278 = arith.constant 0 : index
    %swap3A_279 = arith.constant 0 : index
    %swap3A_280 = vector.load %arg3[%swap3A, %swap3A_278, %swap3A_279] : memref<1x256x128xf32, #tpu.memory_space<vmem>>, vector<1x256x128xf32>
    %swap3A_281 = vector.shape_cast %swap3A_280 : vector<1x256x128xf32> to vector<256x128xf32>
    %swap3A_282 = vector.shape_cast %select_n3A_271 : vector<256x128xf32> to vector<1x256x128xf32>
    tpu.vector_store %arg3[%swap3A, %swap3A_278, %swap3A_279], %swap3A_282 {strides = array<i32>} : memref<1x256x128xf32, #tpu.memory_space<vmem>>, vector<1x256x128xf32>,
    %swap3A_283 = arith.constant 0 : index
    %swap3A_284 = arith.constant 0 : index
    %swap3A_285 = arith.constant 0 : index
    %swap3A_286 = vector.load %arg4[%swap3A_283, %swap3A_284, %swap3A_285] : memref<1x256x128xi32, #tpu.memory_space<vmem>>, vector<1x256x128xi32>
    %swap3A_287 = vector.shape_cast %swap3A_286 : vector<1x256x128xi32> to vector<256x128xi32>
    %swap3A_288 = vector.shape_cast %select_n3A_277 : vector<256x128xi32> to vector<1x256x128xi32>
    tpu.vector_store %arg4[%swap3A_283, %swap3A_284, %swap3A_285], %swap3A_288 {strides = array<i32>} : memref<1x256x128xi32, #tpu.memory_space<vmem>>, vector<1x256x128xi32>,
    return
  }
  func.func @transform_0(%arg0: i32, %arg1: i32) -> (i32, i32, i32) {
    %c0_i32 = arith.constant 0 : i32
    %c0_i32_0 = arith.constant 0 : i32
    return %arg0, %arg1, %c0_i32 : i32, i32, i32
  }
  func.func @transform_1(%arg0: i32, %arg1: i32) -> (i32, i32, i32) {
    %c0_i32 = arith.constant 0 : i32
    %c0_i32_0 = arith.constant 0 : i32
    return %arg0, %arg1, %c0_i32 : i32, i32, i32
  }
  func.func @transform_2(%arg0: i32, %arg1: i32) -> (i32, i32, i32) {
    %c0_i32 = arith.constant 0 : i32
    %c0_i32_0 = arith.constant 0 : i32
    return %arg0, %arg1, %c0_i32 : i32, i32, i32
  }
}

module attributes {stable_mosaic.version = 14 : i64} {
  func.func @_transpose_kernel(%arg0: i32, %arg1: memref<1x4096x128xf32, #tpu.memory_space<vmem>>, %arg2: memref<1x4096x128xi32, #tpu.memory_space<vmem>>, %arg3: memref<1x128x4096xf32, #tpu.memory_space<vmem>>, %arg4: memref<1x128x4096xi32, #tpu.memory_space<vmem>>) attributes {dimension_semantics = [#tpu.dimension_semantics<arbitrary>], iteration_bounds = array<i64: 2>, scalar_prefetch = 0 : i64, scratch_operands = 0 : i64, tpu.core_type = #tpu.core_type<tc>, window_params = [{transform_indices = @transform_0, window_bounds = array<i64: 1, 4096, 128>}, {transform_indices = @transform_1, window_bounds = array<i64: 1, 4096, 128>}, {transform_indices = @transform_2, window_bounds = array<i64: 1, 128, 4096>}, {transform_indices = @transform_3, window_bounds = array<i64: 1, 128, 4096>}]} {
    %get3A = arith.constant 0 : index
    %get3A_0 = arith.constant 0 : index
    %get3A_1 = arith.constant 0 : index
    %get3A_2 = vector.load %arg1[%get3A, %get3A_0, %get3A_1] : memref<1x4096x128xf32, #tpu.memory_space<vmem>>, vector<1x4096x128xf32>
    %get3A_3 = vector.shape_cast %get3A_2 : vector<1x4096x128xf32> to vector<4096x128xf32>
    %transpose3A = tpu.transpose %get3A_3, [1, 0] : vector<4096x128xf32> -> vector<128x4096xf32>
    %swap3A = arith.constant 0 : index
    %swap3A_4 = arith.constant 0 : index
    %swap3A_5 = arith.constant 0 : index
    %swap3A_6 = vector.load %arg3[%swap3A, %swap3A_4, %swap3A_5] : memref<1x128x4096xf32, #tpu.memory_space<vmem>>, vector<1x128x4096xf32>
    %swap3A_7 = vector.shape_cast %swap3A_6 : vector<1x128x4096xf32> to vector<128x4096xf32>
    %swap3A_8 = vector.shape_cast %transpose3A : vector<128x4096xf32> to vector<1x128x4096xf32>
    tpu.vector_store %arg3[%swap3A, %swap3A_4, %swap3A_5], %swap3A_8 {strides = array<i32>} : memref<1x128x4096xf32, #tpu.memory_space<vmem>>, vector<1x128x4096xf32>,
    %get3A_9 = arith.constant 0 : index
    %get3A_10 = arith.constant 0 : index
    %get3A_11 = arith.constant 0 : index
    %get3A_12 = vector.load %arg2[%get3A_9, %get3A_10, %get3A_11] : memref<1x4096x128xi32, #tpu.memory_space<vmem>>, vector<1x4096x128xi32>
    %get3A_13 = vector.shape_cast %get3A_12 : vector<1x4096x128xi32> to vector<4096x128xi32>
    %transpose3A_14 = tpu.transpose %get3A_13, [1, 0] : vector<4096x128xi32> -> vector<128x4096xi32>
    %swap3A_15 = arith.constant 0 : index
    %swap3A_16 = arith.constant 0 : index
    %swap3A_17 = arith.constant 0 : index
    %swap3A_18 = vector.load %arg4[%swap3A_15, %swap3A_16, %swap3A_17] : memref<1x128x4096xi32, #tpu.memory_space<vmem>>, vector<1x128x4096xi32>
    %swap3A_19 = vector.shape_cast %swap3A_18 : vector<1x128x4096xi32> to vector<128x4096xi32>
    %swap3A_20 = vector.shape_cast %transpose3A_14 : vector<128x4096xi32> to vector<1x128x4096xi32>
    tpu.vector_store %arg4[%swap3A_15, %swap3A_16, %swap3A_17], %swap3A_20 {strides = array<i32>} : memref<1x128x4096xi32, #tpu.memory_space<vmem>>, vector<1x128x4096xi32>,
    return
  }
  func.func @transform_0(%arg0: i32) -> (i32, i32, i32) {
    %c0_i32 = arith.constant 0 : i32
    %c0_i32_0 = arith.constant 0 : i32
    %c0_i32_1 = arith.constant 0 : i32
    return %arg0, %c0_i32, %c0_i32_0 : i32, i32, i32
  }
  func.func @transform_1(%arg0: i32) -> (i32, i32, i32) {
    %c0_i32 = arith.constant 0 : i32
    %c0_i32_0 = arith.constant 0 : i32
    %c0_i32_1 = arith.constant 0 : i32
    return %arg0, %c0_i32, %c0_i32_0 : i32, i32, i32
  }
  func.func @transform_2(%arg0: i32) -> (i32, i32, i32) {
    %c0_i32 = arith.constant 0 : i32
    %c0_i32_0 = arith.constant 0 : i32
    %c0_i32_1 = arith.constant 0 : i32
    return %arg0, %c0_i32, %c0_i32_0 : i32, i32, i32
  }
  func.func @transform_3(%arg0: i32) -> (i32, i32, i32) {
    %c0_i32 = arith.constant 0 : i32
    %c0_i32_0 = arith.constant 0 : i32
    %c0_i32_1 = arith.constant 0 : i32
    return %arg0, %c0_i32, %c0_i32_0 : i32, i32, i32
  }
}

module attributes {stable_mosaic.version = 14 : i64} {
  func.func @_scatter_kernel(%arg0: i32, %arg1: i32, %arg2: memref<1x256x128xf32, #tpu.memory_space<vmem>>, %arg3: memref<1x256x128xi32, #tpu.memory_space<vmem>>, %arg4: memref<1x128x4096xf32, #tpu.memory_space<vmem>>, %arg5: memref<1x128x4096xi32, #tpu.memory_space<vmem>>, %arg6: memref<1x256x4096xf32, #tpu.memory_space<vmem>>, %arg7: memref<1x256x4096xf32, #tpu.memory_space<vmem>>) attributes {dimension_semantics = [#tpu.dimension_semantics<arbitrary>, #tpu.dimension_semantics<arbitrary>], iteration_bounds = array<i64: 2, 16>, scalar_prefetch = 0 : i64, scratch_operands = 0 : i64, tpu.core_type = #tpu.core_type<tc>, window_params = [{transform_indices = @transform_0, window_bounds = array<i64: 1, 256, 128>}, {transform_indices = @transform_1, window_bounds = array<i64: 1, 256, 128>}, {transform_indices = @transform_2, window_bounds = array<i64: 1, 128, 4096>}, {transform_indices = @transform_3, window_bounds = array<i64: 1, 128, 4096>}, {transform_indices = @transform_4, window_bounds = array<i64: 1, 256, 4096>}, {transform_indices = @transform_5, window_bounds = array<i64: 1, 256, 4096>}]} {
    %mul3A = arith.constant 256 : i32
    %mul3A_0 = arith.muli %arg1, %mul3A : i32
    %iota3A = tpu.iota {dimensions = array<i32: 1>} : vector<256x4096xi32>
    %iota3A_1 = tpu.iota {dimensions = array<i32: 0>} : vector<256x1xi32>
    %add3A = vector.broadcast %mul3A_0 : i32 to vector<256x1xi32>
    %add3A_2 = arith.addi %add3A, %iota3A_1 : vector<256x1xi32>
    %broadcast_in_dim3A = arith.constant 0.000000e+00 : f32
    %broadcast_in_dim3A_3 = vector.broadcast %broadcast_in_dim3A : f32 to vector<256x4096xf32>
    %get3A = arith.constant 0 : index
    %get3A_4 = arith.constant 0 : index
    %get3A_5 = arith.constant 0 : index
    %get3A_6 = vector.load %arg3[%get3A, %get3A_4, %get3A_5] : memref<1x256x128xi32, #tpu.memory_space<vmem>>, vector<1x256x1xi32>
    %get3A_7 = vector.shape_cast %get3A_6 : vector<1x256x1xi32> to vector<256x1xi32>
    %get3A_8 = arith.constant 0 : index
    %get3A_9 = arith.constant 0 : index
    %get3A_10 = arith.constant 0 : index
    %get3A_11 = vector.load %arg2[%get3A_8, %get3A_9, %get3A_10] : memref<1x256x128xf32, #tpu.memory_space<vmem>>, vector<1x256x1xf32>
    %get3A_12 = vector.shape_cast %get3A_11 : vector<1x256x1xf32> to vector<256x1xf32>
    %eq3A = vector.broadcast %get3A_7 : vector<256x1xi32> to vector<256x4096xi32>
    %eq3A_13 = arith.cmpi eq, %iota3A, %eq3A : vector<256x4096xi32>
    %jit3A = arith.constant 0.000000e+00 : f32
    %broadcast_in_dim3A_14 = vector.shape_cast %get3A_12 : vector<256x1xf32> to vector<256x1xf32>
    %broadcast_in_dim3A_15 = vector.broadcast %broadcast_in_dim3A_14 : vector<256x1xf32> to vector<256x4096xf32>
    %broadcast_in_dim3A_16 = vector.broadcast %jit3A : f32 to vector<256x4096xf32>
    %select_n3A = arith.select %eq3A_13, %broadcast_in_dim3A_15, %broadcast_in_dim3A_16 : vector<256x4096xi1>, vector<256x4096xf32>
    %add3A_17 = arith.addf %broadcast_in_dim3A_3, %select_n3A : vector<256x4096xf32>
    %get3A_18 = arith.constant 0 : index
    %get3A_19 = arith.constant 0 : index
    %get3A_20 = arith.constant 0 : index
    %get3A_21 = vector.load %arg5[%get3A_18, %get3A_19, %get3A_20] : memref<1x128x4096xi32, #tpu.memory_space<vmem>>, vector<1x1x4096xi32>
    %get3A_22 = vector.shape_cast %get3A_21 : vector<1x1x4096xi32> to vector<1x4096xi32>
    %get3A_23 = arith.constant 0 : index
    %get3A_24 = arith.constant 0 : index
    %get3A_25 = arith.constant 0 : index
    %get3A_26 = vector.load %arg4[%get3A_23, %get3A_24, %get3A_25] : memref<1x128x4096xf32, #tpu.memory_space<vmem>>, vector<1x1x4096xf32>
    %get3A_27 = vector.shape_cast %get3A_26 : vector<1x1x4096xf32> to vector<1x4096xf32>
    %eq3A_28 = vector.broadcast %get3A_22 : vector<1x4096xi32> to vector<256x4096xi32>
    %eq3A_29 = vector.broadcast %add3A_2 : vector<256x1xi32> to vector<256x4096xi32>
    %eq3A_30 = arith.cmpi eq, %eq3A_28, %eq3A_29 : vector<256x4096xi32>
    %jit3A_31 = arith.constant 0.000000e+00 : f32
    %broadcast_in_dim3A_32 = vector.shape_cast %get3A_27 : vector<1x4096xf32> to vector<1x4096xf32>
    %broadcast_in_dim3A_33 = vector.broadcast %broadcast_in_dim3A_32 : vector<1x4096xf32> to vector<256x4096xf32>
    %broadcast_in_dim3A_34 = vector.broadcast %jit3A_31 : f32 to vector<256x4096xf32>
    %select_n3A_35 = arith.select %eq3A_30, %broadcast_in_dim3A_33, %broadcast_in_dim3A_34 : vector<256x4096xi1>, vector<256x4096xf32>
    %add3A_36 = arith.addf %add3A_17, %select_n3A_35 : vector<256x4096xf32>
    %get3A_37 = arith.constant 0 : index
    %get3A_38 = arith.constant 0 : index
    %get3A_39 = arith.constant 1 : index
    %get3A_40 = vector.load %arg3[%get3A_37, %get3A_38, %get3A_39] : memref<1x256x128xi32, #tpu.memory_space<vmem>>, vector<1x256x1xi32>
    %get3A_41 = vector.shape_cast %get3A_40 : vector<1x256x1xi32> to vector<256x1xi32>
    %get3A_42 = arith.constant 0 : index
    %get3A_43 = arith.constant 0 : index
    %get3A_44 = arith.constant 1 : index
    %get3A_45 = vector.load %arg2[%get3A_42, %get3A_43, %get3A_44] : memref<1x256x128xf32, #tpu.memory_space<vmem>>, vector<1x256x1xf32>
    %get3A_46 = vector.shape_cast %get3A_45 : vector<1x256x1xf32> to vector<256x1xf32>
    %eq3A_47 = vector.broadcast %get3A_41 : vector<256x1xi32> to vector<256x4096xi32>
    %eq3A_48 = arith.cmpi eq, %iota3A, %eq3A_47 : vector<256x4096xi32>
    %jit3A_49 = arith.constant 0.000000e+00 : f32
    %broadcast_in_dim3A_50 = vector.shape_cast %get3A_46 : vector<256x1xf32> to vector<256x1xf32>
    %broadcast_in_dim3A_51 = vector.broadcast %broadcast_in_dim3A_50 : vector<256x1xf32> to vector<256x4096xf32>
    %broadcast_in_dim3A_52 = vector.broadcast %jit3A_49 : f32 to vector<256x4096xf32>
    %select_n3A_53 = arith.select %eq3A_48, %broadcast_in_dim3A_51, %broadcast_in_dim3A_52 : vector<256x4096xi1>, vector<256x4096xf32>
    %add3A_54 = arith.addf %add3A_36, %select_n3A_53 : vector<256x4096xf32>
    %get3A_55 = arith.constant 0 : index
    %get3A_56 = arith.constant 1 : index
    %get3A_57 = arith.constant 0 : index
    %get3A_58 = vector.load %arg5[%get3A_55, %get3A_56, %get3A_57] : memref<1x128x4096xi32, #tpu.memory_space<vmem>>, vector<1x1x4096xi32>
    %get3A_59 = vector.shape_cast %get3A_58 : vector<1x1x4096xi32> to vector<1x4096xi32>
    %get3A_60 = arith.constant 0 : index
    %get3A_61 = arith.constant 1 : index
    %get3A_62 = arith.constant 0 : index
    %get3A_63 = vector.load %arg4[%get3A_60, %get3A_61, %get3A_62] : memref<1x128x4096xf32, #tpu.memory_space<vmem>>, vector<1x1x4096xf32>
    %get3A_64 = vector.shape_cast %get3A_63 : vector<1x1x4096xf32> to vector<1x4096xf32>
    %eq3A_65 = vector.broadcast %get3A_59 : vector<1x4096xi32> to vector<256x4096xi32>
    %eq3A_66 = vector.broadcast %add3A_2 : vector<256x1xi32> to vector<256x4096xi32>
    %eq3A_67 = arith.cmpi eq, %eq3A_65, %eq3A_66 : vector<256x4096xi32>
    %jit3A_68 = arith.constant 0.000000e+00 : f32
    %broadcast_in_dim3A_69 = vector.shape_cast %get3A_64 : vector<1x4096xf32> to vector<1x4096xf32>
    %broadcast_in_dim3A_70 = vector.broadcast %broadcast_in_dim3A_69 : vector<1x4096xf32> to vector<256x4096xf32>
    %broadcast_in_dim3A_71 = vector.broadcast %jit3A_68 : f32 to vector<256x4096xf32>
    %select_n3A_72 = arith.select %eq3A_67, %broadcast_in_dim3A_70, %broadcast_in_dim3A_71 : vector<256x4096xi1>, vector<256x4096xf32>
    %add3A_73 = arith.addf %add3A_54, %select_n3A_72 : vector<256x4096xf32>
    %get3A_74 = arith.constant 0 : index
    %get3A_75 = arith.constant 0 : index
    %get3A_76 = arith.constant 2 : index
    %get3A_77 = vector.load %arg3[%get3A_74, %get3A_75, %get3A_76] : memref<1x256x128xi32, #tpu.memory_space<vmem>>, vector<1x256x1xi32>
    %get3A_78 = vector.shape_cast %get3A_77 : vector<1x256x1xi32> to vector<256x1xi32>
    %get3A_79 = arith.constant 0 : index
    %get3A_80 = arith.constant 0 : index
    %get3A_81 = arith.constant 2 : index
    %get3A_82 = vector.load %arg2[%get3A_79, %get3A_80, %get3A_81] : memref<1x256x128xf32, #tpu.memory_space<vmem>>, vector<1x256x1xf32>
    %get3A_83 = vector.shape_cast %get3A_82 : vector<1x256x1xf32> to vector<256x1xf32>
    %eq3A_84 = vector.broadcast %get3A_78 : vector<256x1xi32> to vector<256x4096xi32>
    %eq3A_85 = arith.cmpi eq, %iota3A, %eq3A_84 : vector<256x4096xi32>
    %jit3A_86 = arith.constant 0.000000e+00 : f32
    %broadcast_in_dim3A_87 = vector.shape_cast %get3A_83 : vector<256x1xf32> to vector<256x1xf32>
    %broadcast_in_dim3A_88 = vector.broadcast %broadcast_in_dim3A_87 : vector<256x1xf32> to vector<256x4096xf32>
    %broadcast_in_dim3A_89 = vector.broadcast %jit3A_86 : f32 to vector<256x4096xf32>
    %select_n3A_90 = arith.select %eq3A_85, %broadcast_in_dim3A_88, %broadcast_in_dim3A_89 : vector<256x4096xi1>, vector<256x4096xf32>
    %add3A_91 = arith.addf %add3A_73, %select_n3A_90 : vector<256x4096xf32>
    %get3A_92 = arith.constant 0 : index
    %get3A_93 = arith.constant 2 : index
    %get3A_94 = arith.constant 0 : index
    %get3A_95 = vector.load %arg5[%get3A_92, %get3A_93, %get3A_94] : memref<1x128x4096xi32, #tpu.memory_space<vmem>>, vector<1x1x4096xi32>
    %get3A_96 = vector.shape_cast %get3A_95 : vector<1x1x4096xi32> to vector<1x4096xi32>
    %get3A_97 = arith.constant 0 : index
    %get3A_98 = arith.constant 2 : index
    %get3A_99 = arith.constant 0 : index
    %get3A_100 = vector.load %arg4[%get3A_97, %get3A_98, %get3A_99] : memref<1x128x4096xf32, #tpu.memory_space<vmem>>, vector<1x1x4096xf32>
    %get3A_101 = vector.shape_cast %get3A_100 : vector<1x1x4096xf32> to vector<1x4096xf32>
    %eq3A_102 = vector.broadcast %get3A_96 : vector<1x4096xi32> to vector<256x4096xi32>
    %eq3A_103 = vector.broadcast %add3A_2 : vector<256x1xi32> to vector<256x4096xi32>
    %eq3A_104 = arith.cmpi eq, %eq3A_102, %eq3A_103 : vector<256x4096xi32>
    %jit3A_105 = arith.constant 0.000000e+00 : f32
    %broadcast_in_dim3A_106 = vector.shape_cast %get3A_101 : vector<1x4096xf32> to vector<1x4096xf32>
    %broadcast_in_dim3A_107 = vector.broadcast %broadcast_in_dim3A_106 : vector<1x4096xf32> to vector<256x4096xf32>
    %broadcast_in_dim3A_108 = vector.broadcast %jit3A_105 : f32 to vector<256x4096xf32>
    %select_n3A_109 = arith.select %eq3A_104, %broadcast_in_dim3A_107, %broadcast_in_dim3A_108 : vector<256x4096xi1>, vector<256x4096xf32>
    %add3A_110 = arith.addf %add3A_91, %select_n3A_109 : vector<256x4096xf32>
    %get3A_111 = arith.constant 0 : index
    %get3A_112 = arith.constant 0 : index
    %get3A_113 = arith.constant 3 : index
    %get3A_114 = vector.load %arg3[%get3A_111, %get3A_112, %get3A_113] : memref<1x256x128xi32, #tpu.memory_space<vmem>>, vector<1x256x1xi32>
    %get3A_115 = vector.shape_cast %get3A_114 : vector<1x256x1xi32> to vector<256x1xi32>
    %get3A_116 = arith.constant 0 : index
    %get3A_117 = arith.constant 0 : index
    %get3A_118 = arith.constant 3 : index
    %get3A_119 = vector.load %arg2[%get3A_116, %get3A_117, %get3A_118] : memref<1x256x128xf32, #tpu.memory_space<vmem>>, vector<1x256x1xf32>
    %get3A_120 = vector.shape_cast %get3A_119 : vector<1x256x1xf32> to vector<256x1xf32>
    %eq3A_121 = vector.broadcast %get3A_115 : vector<256x1xi32> to vector<256x4096xi32>
    %eq3A_122 = arith.cmpi eq, %iota3A, %eq3A_121 : vector<256x4096xi32>
    %jit3A_123 = arith.constant 0.000000e+00 : f32
    %broadcast_in_dim3A_124 = vector.shape_cast %get3A_120 : vector<256x1xf32> to vector<256x1xf32>
    %broadcast_in_dim3A_125 = vector.broadcast %broadcast_in_dim3A_124 : vector<256x1xf32> to vector<256x4096xf32>
    %broadcast_in_dim3A_126 = vector.broadcast %jit3A_123 : f32 to vector<256x4096xf32>
    %select_n3A_127 = arith.select %eq3A_122, %broadcast_in_dim3A_125, %broadcast_in_dim3A_126 : vector<256x4096xi1>, vector<256x4096xf32>
    %add3A_128 = arith.addf %add3A_110, %select_n3A_127 : vector<256x4096xf32>
    %get3A_129 = arith.constant 0 : index
    %get3A_130 = arith.constant 3 : index
    %get3A_131 = arith.constant 0 : index
    %get3A_132 = vector.load %arg5[%get3A_129, %get3A_130, %get3A_131] : memref<1x128x4096xi32, #tpu.memory_space<vmem>>, vector<1x1x4096xi32>
    %get3A_133 = vector.shape_cast %get3A_132 : vector<1x1x4096xi32> to vector<1x4096xi32>
    %get3A_134 = arith.constant 0 : index
    %get3A_135 = arith.constant 3 : index
    %get3A_136 = arith.constant 0 : index
    %get3A_137 = vector.load %arg4[%get3A_134, %get3A_135, %get3A_136] : memref<1x128x4096xf32, #tpu.memory_space<vmem>>, vector<1x1x4096xf32>
    %get3A_138 = vector.shape_cast %get3A_137 : vector<1x1x4096xf32> to vector<1x4096xf32>
    %eq3A_139 = vector.broadcast %get3A_133 : vector<1x4096xi32> to vector<256x4096xi32>
    %eq3A_140 = vector.broadcast %add3A_2 : vector<256x1xi32> to vector<256x4096xi32>
    %eq3A_141 = arith.cmpi eq, %eq3A_139, %eq3A_140 : vector<256x4096xi32>
    %jit3A_142 = arith.constant 0.000000e+00 : f32
    %broadcast_in_dim3A_143 = vector.shape_cast %get3A_138 : vector<1x4096xf32> to vector<1x4096xf32>
    %broadcast_in_dim3A_144 = vector.broadcast %broadcast_in_dim3A_143 : vector<1x4096xf32> to vector<256x4096xf32>
    %broadcast_in_dim3A_145 = vector.broadcast %jit3A_142 : f32 to vector<256x4096xf32>
    %select_n3A_146 = arith.select %eq3A_141, %broadcast_in_dim3A_144, %broadcast_in_dim3A_145 : vector<256x4096xi1>, vector<256x4096xf32>
    %add3A_147 = arith.addf %add3A_128, %select_n3A_146 : vector<256x4096xf32>
    %get3A_148 = arith.constant 0 : index
    %get3A_149 = arith.constant 0 : index
    %get3A_150 = arith.constant 4 : index
    %get3A_151 = vector.load %arg3[%get3A_148, %get3A_149, %get3A_150] : memref<1x256x128xi32, #tpu.memory_space<vmem>>, vector<1x256x1xi32>
    %get3A_152 = vector.shape_cast %get3A_151 : vector<1x256x1xi32> to vector<256x1xi32>
    %get3A_153 = arith.constant 0 : index
    %get3A_154 = arith.constant 0 : index
    %get3A_155 = arith.constant 4 : index
    %get3A_156 = vector.load %arg2[%get3A_153, %get3A_154, %get3A_155] : memref<1x256x128xf32, #tpu.memory_space<vmem>>, vector<1x256x1xf32>
    %get3A_157 = vector.shape_cast %get3A_156 : vector<1x256x1xf32> to vector<256x1xf32>
    %eq3A_158 = vector.broadcast %get3A_152 : vector<256x1xi32> to vector<256x4096xi32>
    %eq3A_159 = arith.cmpi eq, %iota3A, %eq3A_158 : vector<256x4096xi32>
    %jit3A_160 = arith.constant 0.000000e+00 : f32
    %broadcast_in_dim3A_161 = vector.shape_cast %get3A_157 : vector<256x1xf32> to vector<256x1xf32>
    %broadcast_in_dim3A_162 = vector.broadcast %broadcast_in_dim3A_161 : vector<256x1xf32> to vector<256x4096xf32>
    %broadcast_in_dim3A_163 = vector.broadcast %jit3A_160 : f32 to vector<256x4096xf32>
    %select_n3A_164 = arith.select %eq3A_159, %broadcast_in_dim3A_162, %broadcast_in_dim3A_163 : vector<256x4096xi1>, vector<256x4096xf32>
    %add3A_165 = arith.addf %add3A_147, %select_n3A_164 : vector<256x4096xf32>
    %get3A_166 = arith.constant 0 : index
    %get3A_167 = arith.constant 4 : index
    %get3A_168 = arith.constant 0 : index
    %get3A_169 = vector.load %arg5[%get3A_166, %get3A_167, %get3A_168] : memref<1x128x4096xi32, #tpu.memory_space<vmem>>, vector<1x1x4096xi32>
    %get3A_170 = vector.shape_cast %get3A_169 : vector<1x1x4096xi32> to vector<1x4096xi32>
    %get3A_171 = arith.constant 0 : index
    %get3A_172 = arith.constant 4 : index
    %get3A_173 = arith.constant 0 : index
    %get3A_174 = vector.load %arg4[%get3A_171, %get3A_172, %get3A_173] : memref<1x128x4096xf32, #tpu.memory_space<vmem>>, vector<1x1x4096xf32>
    %get3A_175 = vector.shape_cast %get3A_174 : vector<1x1x4096xf32> to vector<1x4096xf32>
    %eq3A_176 = vector.broadcast %get3A_170 : vector<1x4096xi32> to vector<256x4096xi32>
    %eq3A_177 = vector.broadcast %add3A_2 : vector<256x1xi32> to vector<256x4096xi32>
    %eq3A_178 = arith.cmpi eq, %eq3A_176, %eq3A_177 : vector<256x4096xi32>
    %jit3A_179 = arith.constant 0.000000e+00 : f32
    %broadcast_in_dim3A_180 = vector.shape_cast %get3A_175 : vector<1x4096xf32> to vector<1x4096xf32>
    %broadcast_in_dim3A_181 = vector.broadcast %broadcast_in_dim3A_180 : vector<1x4096xf32> to vector<256x4096xf32>
    %broadcast_in_dim3A_182 = vector.broadcast %jit3A_179 : f32 to vector<256x4096xf32>
    %select_n3A_183 = arith.select %eq3A_178, %broadcast_in_dim3A_181, %broadcast_in_dim3A_182 : vector<256x4096xi1>, vector<256x4096xf32>
    %add3A_184 = arith.addf %add3A_165, %select_n3A_183 : vector<256x4096xf32>
    %get3A_185 = arith.constant 0 : index
    %get3A_186 = arith.constant 0 : index
    %get3A_187 = arith.constant 5 : index
    %get3A_188 = vector.load %arg3[%get3A_185, %get3A_186, %get3A_187] : memref<1x256x128xi32, #tpu.memory_space<vmem>>, vector<1x256x1xi32>
    %get3A_189 = vector.shape_cast %get3A_188 : vector<1x256x1xi32> to vector<256x1xi32>
    %get3A_190 = arith.constant 0 : index
    %get3A_191 = arith.constant 0 : index
    %get3A_192 = arith.constant 5 : index
    %get3A_193 = vector.load %arg2[%get3A_190, %get3A_191, %get3A_192] : memref<1x256x128xf32, #tpu.memory_space<vmem>>, vector<1x256x1xf32>
    %get3A_194 = vector.shape_cast %get3A_193 : vector<1x256x1xf32> to vector<256x1xf32>
    %eq3A_195 = vector.broadcast %get3A_189 : vector<256x1xi32> to vector<256x4096xi32>
    %eq3A_196 = arith.cmpi eq, %iota3A, %eq3A_195 : vector<256x4096xi32>
    %jit3A_197 = arith.constant 0.000000e+00 : f32
    %broadcast_in_dim3A_198 = vector.shape_cast %get3A_194 : vector<256x1xf32> to vector<256x1xf32>
    %broadcast_in_dim3A_199 = vector.broadcast %broadcast_in_dim3A_198 : vector<256x1xf32> to vector<256x4096xf32>
    %broadcast_in_dim3A_200 = vector.broadcast %jit3A_197 : f32 to vector<256x4096xf32>
    %select_n3A_201 = arith.select %eq3A_196, %broadcast_in_dim3A_199, %broadcast_in_dim3A_200 : vector<256x4096xi1>, vector<256x4096xf32>
    %add3A_202 = arith.addf %add3A_184, %select_n3A_201 : vector<256x4096xf32>
    %get3A_203 = arith.constant 0 : index
    %get3A_204 = arith.constant 5 : index
    %get3A_205 = arith.constant 0 : index
    %get3A_206 = vector.load %arg5[%get3A_203, %get3A_204, %get3A_205] : memref<1x128x4096xi32, #tpu.memory_space<vmem>>, vector<1x1x4096xi32>
    %get3A_207 = vector.shape_cast %get3A_206 : vector<1x1x4096xi32> to vector<1x4096xi32>
    %get3A_208 = arith.constant 0 : index
    %get3A_209 = arith.constant 5 : index
    %get3A_210 = arith.constant 0 : index
    %get3A_211 = vector.load %arg4[%get3A_208, %get3A_209, %get3A_210] : memref<1x128x4096xf32, #tpu.memory_space<vmem>>, vector<1x1x4096xf32>
    %get3A_212 = vector.shape_cast %get3A_211 : vector<1x1x4096xf32> to vector<1x4096xf32>
    %eq3A_213 = vector.broadcast %get3A_207 : vector<1x4096xi32> to vector<256x4096xi32>
    %eq3A_214 = vector.broadcast %add3A_2 : vector<256x1xi32> to vector<256x4096xi32>
    %eq3A_215 = arith.cmpi eq, %eq3A_213, %eq3A_214 : vector<256x4096xi32>
    %jit3A_216 = arith.constant 0.000000e+00 : f32
    %broadcast_in_dim3A_217 = vector.shape_cast %get3A_212 : vector<1x4096xf32> to vector<1x4096xf32>
    %broadcast_in_dim3A_218 = vector.broadcast %broadcast_in_dim3A_217 : vector<1x4096xf32> to vector<256x4096xf32>
    %broadcast_in_dim3A_219 = vector.broadcast %jit3A_216 : f32 to vector<256x4096xf32>
    %select_n3A_220 = arith.select %eq3A_215, %broadcast_in_dim3A_218, %broadcast_in_dim3A_219 : vector<256x4096xi1>, vector<256x4096xf32>
    %add3A_221 = arith.addf %add3A_202, %select_n3A_220 : vector<256x4096xf32>
    %get3A_222 = arith.constant 0 : index
    %get3A_223 = arith.constant 0 : index
    %get3A_224 = arith.constant 6 : index
    %get3A_225 = vector.load %arg3[%get3A_222, %get3A_223, %get3A_224] : memref<1x256x128xi32, #tpu.memory_space<vmem>>, vector<1x256x1xi32>
    %get3A_226 = vector.shape_cast %get3A_225 : vector<1x256x1xi32> to vector<256x1xi32>
    %get3A_227 = arith.constant 0 : index
    %get3A_228 = arith.constant 0 : index
    %get3A_229 = arith.constant 6 : index
    %get3A_230 = vector.load %arg2[%get3A_227, %get3A_228, %get3A_229] : memref<1x256x128xf32, #tpu.memory_space<vmem>>, vector<1x256x1xf32>
    %get3A_231 = vector.shape_cast %get3A_230 : vector<1x256x1xf32> to vector<256x1xf32>
    %eq3A_232 = vector.broadcast %get3A_226 : vector<256x1xi32> to vector<256x4096xi32>
    %eq3A_233 = arith.cmpi eq, %iota3A, %eq3A_232 : vector<256x4096xi32>
    %jit3A_234 = arith.constant 0.000000e+00 : f32
    %broadcast_in_dim3A_235 = vector.shape_cast %get3A_231 : vector<256x1xf32> to vector<256x1xf32>
    %broadcast_in_dim3A_236 = vector.broadcast %broadcast_in_dim3A_235 : vector<256x1xf32> to vector<256x4096xf32>
    %broadcast_in_dim3A_237 = vector.broadcast %jit3A_234 : f32 to vector<256x4096xf32>
    %select_n3A_238 = arith.select %eq3A_233, %broadcast_in_dim3A_236, %broadcast_in_dim3A_237 : vector<256x4096xi1>, vector<256x4096xf32>
    %add3A_239 = arith.addf %add3A_221, %select_n3A_238 : vector<256x4096xf32>
    %get3A_240 = arith.constant 0 : index
    %get3A_241 = arith.constant 6 : index
    %get3A_242 = arith.constant 0 : index
    %get3A_243 = vector.load %arg5[%get3A_240, %get3A_241, %get3A_242] : memref<1x128x4096xi32, #tpu.memory_space<vmem>>, vector<1x1x4096xi32>
    %get3A_244 = vector.shape_cast %get3A_243 : vector<1x1x4096xi32> to vector<1x4096xi32>
    %get3A_245 = arith.constant 0 : index
    %get3A_246 = arith.constant 6 : index
    %get3A_247 = arith.constant 0 : index
    %get3A_248 = vector.load %arg4[%get3A_245, %get3A_246, %get3A_247] : memref<1x128x4096xf32, #tpu.memory_space<vmem>>, vector<1x1x4096xf32>
    %get3A_249 = vector.shape_cast %get3A_248 : vector<1x1x4096xf32> to vector<1x4096xf32>
    %eq3A_250 = vector.broadcast %get3A_244 : vector<1x4096xi32> to vector<256x4096xi32>
    %eq3A_251 = vector.broadcast %add3A_2 : vector<256x1xi32> to vector<256x4096xi32>
    %eq3A_252 = arith.cmpi eq, %eq3A_250, %eq3A_251 : vector<256x4096xi32>
    %jit3A_253 = arith.constant 0.000000e+00 : f32
    %broadcast_in_dim3A_254 = vector.shape_cast %get3A_249 : vector<1x4096xf32> to vector<1x4096xf32>
    %broadcast_in_dim3A_255 = vector.broadcast %broadcast_in_dim3A_254 : vector<1x4096xf32> to vector<256x4096xf32>
    %broadcast_in_dim3A_256 = vector.broadcast %jit3A_253 : f32 to vector<256x4096xf32>
    %select_n3A_257 = arith.select %eq3A_252, %broadcast_in_dim3A_255, %broadcast_in_dim3A_256 : vector<256x4096xi1>, vector<256x4096xf32>
    %add3A_258 = arith.addf %add3A_239, %select_n3A_257 : vector<256x4096xf32>
    %get3A_259 = arith.constant 0 : index
    %get3A_260 = arith.constant 0 : index
    %get3A_261 = arith.constant 7 : index
    %get3A_262 = vector.load %arg3[%get3A_259, %get3A_260, %get3A_261] : memref<1x256x128xi32, #tpu.memory_space<vmem>>, vector<1x256x1xi32>
    %get3A_263 = vector.shape_cast %get3A_262 : vector<1x256x1xi32> to vector<256x1xi32>
    %get3A_264 = arith.constant 0 : index
    %get3A_265 = arith.constant 0 : index
    %get3A_266 = arith.constant 7 : index
    %get3A_267 = vector.load %arg2[%get3A_264, %get3A_265, %get3A_266] : memref<1x256x128xf32, #tpu.memory_space<vmem>>, vector<1x256x1xf32>
    %get3A_268 = vector.shape_cast %get3A_267 : vector<1x256x1xf32> to vector<256x1xf32>
    %eq3A_269 = vector.broadcast %get3A_263 : vector<256x1xi32> to vector<256x4096xi32>
    %eq3A_270 = arith.cmpi eq, %iota3A, %eq3A_269 : vector<256x4096xi32>
    %jit3A_271 = arith.constant 0.000000e+00 : f32
    %broadcast_in_dim3A_272 = vector.shape_cast %get3A_268 : vector<256x1xf32> to vector<256x1xf32>
    %broadcast_in_dim3A_273 = vector.broadcast %broadcast_in_dim3A_272 : vector<256x1xf32> to vector<256x4096xf32>
    %broadcast_in_dim3A_274 = vector.broadcast %jit3A_271 : f32 to vector<256x4096xf32>
    %select_n3A_275 = arith.select %eq3A_270, %broadcast_in_dim3A_273, %broadcast_in_dim3A_274 : vector<256x4096xi1>, vector<256x4096xf32>
    %add3A_276 = arith.addf %add3A_258, %select_n3A_275 : vector<256x4096xf32>
    %get3A_277 = arith.constant 0 : index
    %get3A_278 = arith.constant 7 : index
    %get3A_279 = arith.constant 0 : index
    %get3A_280 = vector.load %arg5[%get3A_277, %get3A_278, %get3A_279] : memref<1x128x4096xi32, #tpu.memory_space<vmem>>, vector<1x1x4096xi32>
    %get3A_281 = vector.shape_cast %get3A_280 : vector<1x1x4096xi32> to vector<1x4096xi32>
    %get3A_282 = arith.constant 0 : index
    %get3A_283 = arith.constant 7 : index
    %get3A_284 = arith.constant 0 : index
    %get3A_285 = vector.load %arg4[%get3A_282, %get3A_283, %get3A_284] : memref<1x128x4096xf32, #tpu.memory_space<vmem>>, vector<1x1x4096xf32>
    %get3A_286 = vector.shape_cast %get3A_285 : vector<1x1x4096xf32> to vector<1x4096xf32>
    %eq3A_287 = vector.broadcast %get3A_281 : vector<1x4096xi32> to vector<256x4096xi32>
    %eq3A_288 = vector.broadcast %add3A_2 : vector<256x1xi32> to vector<256x4096xi32>
    %eq3A_289 = arith.cmpi eq, %eq3A_287, %eq3A_288 : vector<256x4096xi32>
    %jit3A_290 = arith.constant 0.000000e+00 : f32
    %broadcast_in_dim3A_291 = vector.shape_cast %get3A_286 : vector<1x4096xf32> to vector<1x4096xf32>
    %broadcast_in_dim3A_292 = vector.broadcast %broadcast_in_dim3A_291 : vector<1x4096xf32> to vector<256x4096xf32>
    %broadcast_in_dim3A_293 = vector.broadcast %jit3A_290 : f32 to vector<256x4096xf32>
    %select_n3A_294 = arith.select %eq3A_289, %broadcast_in_dim3A_292, %broadcast_in_dim3A_293 : vector<256x4096xi1>, vector<256x4096xf32>
    %add3A_295 = arith.addf %add3A_276, %select_n3A_294 : vector<256x4096xf32>
    %get3A_296 = arith.constant 0 : index
    %get3A_297 = arith.constant 0 : index
    %get3A_298 = arith.constant 8 : index
    %get3A_299 = vector.load %arg3[%get3A_296, %get3A_297, %get3A_298] : memref<1x256x128xi32, #tpu.memory_space<vmem>>, vector<1x256x1xi32>
    %get3A_300 = vector.shape_cast %get3A_299 : vector<1x256x1xi32> to vector<256x1xi32>
    %get3A_301 = arith.constant 0 : index
    %get3A_302 = arith.constant 0 : index
    %get3A_303 = arith.constant 8 : index
    %get3A_304 = vector.load %arg2[%get3A_301, %get3A_302, %get3A_303] : memref<1x256x128xf32, #tpu.memory_space<vmem>>, vector<1x256x1xf32>
    %get3A_305 = vector.shape_cast %get3A_304 : vector<1x256x1xf32> to vector<256x1xf32>
    %eq3A_306 = vector.broadcast %get3A_300 : vector<256x1xi32> to vector<256x4096xi32>
    %eq3A_307 = arith.cmpi eq, %iota3A, %eq3A_306 : vector<256x4096xi32>
    %jit3A_308 = arith.constant 0.000000e+00 : f32
    %broadcast_in_dim3A_309 = vector.shape_cast %get3A_305 : vector<256x1xf32> to vector<256x1xf32>
    %broadcast_in_dim3A_310 = vector.broadcast %broadcast_in_dim3A_309 : vector<256x1xf32> to vector<256x4096xf32>
    %broadcast_in_dim3A_311 = vector.broadcast %jit3A_308 : f32 to vector<256x4096xf32>
    %select_n3A_312 = arith.select %eq3A_307, %broadcast_in_dim3A_310, %broadcast_in_dim3A_311 : vector<256x4096xi1>, vector<256x4096xf32>
    %add3A_313 = arith.addf %add3A_295, %select_n3A_312 : vector<256x4096xf32>
    %get3A_314 = arith.constant 0 : index
    %get3A_315 = arith.constant 8 : index
    %get3A_316 = arith.constant 0 : index
    %get3A_317 = vector.load %arg5[%get3A_314, %get3A_315, %get3A_316] : memref<1x128x4096xi32, #tpu.memory_space<vmem>>, vector<1x1x4096xi32>
    %get3A_318 = vector.shape_cast %get3A_317 : vector<1x1x4096xi32> to vector<1x4096xi32>
    %get3A_319 = arith.constant 0 : index
    %get3A_320 = arith.constant 8 : index
    %get3A_321 = arith.constant 0 : index
    %get3A_322 = vector.load %arg4[%get3A_319, %get3A_320, %get3A_321] : memref<1x128x4096xf32, #tpu.memory_space<vmem>>, vector<1x1x4096xf32>
    %get3A_323 = vector.shape_cast %get3A_322 : vector<1x1x4096xf32> to vector<1x4096xf32>
    %eq3A_324 = vector.broadcast %get3A_318 : vector<1x4096xi32> to vector<256x4096xi32>
    %eq3A_325 = vector.broadcast %add3A_2 : vector<256x1xi32> to vector<256x4096xi32>
    %eq3A_326 = arith.cmpi eq, %eq3A_324, %eq3A_325 : vector<256x4096xi32>
    %jit3A_327 = arith.constant 0.000000e+00 : f32
    %broadcast_in_dim3A_328 = vector.shape_cast %get3A_323 : vector<1x4096xf32> to vector<1x4096xf32>
    %broadcast_in_dim3A_329 = vector.broadcast %broadcast_in_dim3A_328 : vector<1x4096xf32> to vector<256x4096xf32>
    %broadcast_in_dim3A_330 = vector.broadcast %jit3A_327 : f32 to vector<256x4096xf32>
    %select_n3A_331 = arith.select %eq3A_326, %broadcast_in_dim3A_329, %broadcast_in_dim3A_330 : vector<256x4096xi1>, vector<256x4096xf32>
    %add3A_332 = arith.addf %add3A_313, %select_n3A_331 : vector<256x4096xf32>
    %get3A_333 = arith.constant 0 : index
    %get3A_334 = arith.constant 0 : index
    %get3A_335 = arith.constant 9 : index
    %get3A_336 = vector.load %arg3[%get3A_333, %get3A_334, %get3A_335] : memref<1x256x128xi32, #tpu.memory_space<vmem>>, vector<1x256x1xi32>
    %get3A_337 = vector.shape_cast %get3A_336 : vector<1x256x1xi32> to vector<256x1xi32>
    %get3A_338 = arith.constant 0 : index
    %get3A_339 = arith.constant 0 : index
    %get3A_340 = arith.constant 9 : index
    %get3A_341 = vector.load %arg2[%get3A_338, %get3A_339, %get3A_340] : memref<1x256x128xf32, #tpu.memory_space<vmem>>, vector<1x256x1xf32>
    %get3A_342 = vector.shape_cast %get3A_341 : vector<1x256x1xf32> to vector<256x1xf32>
    %eq3A_343 = vector.broadcast %get3A_337 : vector<256x1xi32> to vector<256x4096xi32>
    %eq3A_344 = arith.cmpi eq, %iota3A, %eq3A_343 : vector<256x4096xi32>
    %jit3A_345 = arith.constant 0.000000e+00 : f32
    %broadcast_in_dim3A_346 = vector.shape_cast %get3A_342 : vector<256x1xf32> to vector<256x1xf32>
    %broadcast_in_dim3A_347 = vector.broadcast %broadcast_in_dim3A_346 : vector<256x1xf32> to vector<256x4096xf32>
    %broadcast_in_dim3A_348 = vector.broadcast %jit3A_345 : f32 to vector<256x4096xf32>
    %select_n3A_349 = arith.select %eq3A_344, %broadcast_in_dim3A_347, %broadcast_in_dim3A_348 : vector<256x4096xi1>, vector<256x4096xf32>
    %add3A_350 = arith.addf %add3A_332, %select_n3A_349 : vector<256x4096xf32>
    %get3A_351 = arith.constant 0 : index
    %get3A_352 = arith.constant 9 : index
    %get3A_353 = arith.constant 0 : index
    %get3A_354 = vector.load %arg5[%get3A_351, %get3A_352, %get3A_353] : memref<1x128x4096xi32, #tpu.memory_space<vmem>>, vector<1x1x4096xi32>
    %get3A_355 = vector.shape_cast %get3A_354 : vector<1x1x4096xi32> to vector<1x4096xi32>
    %get3A_356 = arith.constant 0 : index
    %get3A_357 = arith.constant 9 : index
    %get3A_358 = arith.constant 0 : index
    %get3A_359 = vector.load %arg4[%get3A_356, %get3A_357, %get3A_358] : memref<1x128x4096xf32, #tpu.memory_space<vmem>>, vector<1x1x4096xf32>
    %get3A_360 = vector.shape_cast %get3A_359 : vector<1x1x4096xf32> to vector<1x4096xf32>
    %eq3A_361 = vector.broadcast %get3A_355 : vector<1x4096xi32> to vector<256x4096xi32>
    %eq3A_362 = vector.broadcast %add3A_2 : vector<256x1xi32> to vector<256x4096xi32>
    %eq3A_363 = arith.cmpi eq, %eq3A_361, %eq3A_362 : vector<256x4096xi32>
    %jit3A_364 = arith.constant 0.000000e+00 : f32
    %broadcast_in_dim3A_365 = vector.shape_cast %get3A_360 : vector<1x4096xf32> to vector<1x4096xf32>
    %broadcast_in_dim3A_366 = vector.broadcast %broadcast_in_dim3A_365 : vector<1x4096xf32> to vector<256x4096xf32>
    %broadcast_in_dim3A_367 = vector.broadcast %jit3A_364 : f32 to vector<256x4096xf32>
    %select_n3A_368 = arith.select %eq3A_363, %broadcast_in_dim3A_366, %broadcast_in_dim3A_367 : vector<256x4096xi1>, vector<256x4096xf32>
    %add3A_369 = arith.addf %add3A_350, %select_n3A_368 : vector<256x4096xf32>
    %mul3A_370 = arith.constant 5.000000e-01 : f32
    %mul3A_371 = vector.broadcast %mul3A_370 : f32 to vector<256x4096xf32>
    %mul3A_372 = arith.mulf %add3A_369, %mul3A_371 : vector<256x4096xf32>
    %reduce_sum3A = arith.constant dense<0.000000e+00> : vector<256xf32>
    %reduce_sum3A_373 = vector.multi_reduction <add>, %mul3A_372, %reduce_sum3A [1] : vector<256x4096xf32> to vector<256xf32>
    %broadcast_in_dim3A_374 = vector.shape_cast %reduce_sum3A_373 : vector<256xf32> to vector<256x1xf32>
    %eq3A_375 = vector.broadcast %add3A_2 : vector<256x1xi32> to vector<256x4096xi32>
    %eq3A_376 = arith.cmpi eq, %iota3A, %eq3A_375 : vector<256x4096xi32>
    %swap3A = arith.constant 0 : index
    %swap3A_377 = arith.constant 0 : index
    %swap3A_378 = arith.constant 0 : index
    %swap3A_379 = vector.load %arg6[%swap3A, %swap3A_377, %swap3A_378] : memref<1x256x4096xf32, #tpu.memory_space<vmem>>, vector<1x256x4096xf32>
    %swap3A_380 = vector.shape_cast %swap3A_379 : vector<1x256x4096xf32> to vector<256x4096xf32>
    %swap3A_381 = vector.shape_cast %mul3A_372 : vector<256x4096xf32> to vector<1x256x4096xf32>
    tpu.vector_store %arg6[%swap3A, %swap3A_377, %swap3A_378], %swap3A_381 {strides = array<i32>} : memref<1x256x4096xf32, #tpu.memory_space<vmem>>, vector<1x256x4096xf32>,
    %jit3A_382 = arith.constant 0.000000e+00 : f32
    %broadcast_in_dim3A_383 = vector.shape_cast %broadcast_in_dim3A_374 : vector<256x1xf32> to vector<256x1xf32>
    %broadcast_in_dim3A_384 = vector.broadcast %broadcast_in_dim3A_383 : vector<256x1xf32> to vector<256x4096xf32>
    %broadcast_in_dim3A_385 = vector.broadcast %jit3A_382 : f32 to vector<256x4096xf32>
    %select_n3A_386 = arith.select %eq3A_376, %broadcast_in_dim3A_384, %broadcast_in_dim3A_385 : vector<256x4096xi1>, vector<256x4096xf32>
    %sub3A = arith.subf %select_n3A_386, %mul3A_372 : vector<256x4096xf32>
    %swap3A_387 = arith.constant 0 : index
    %swap3A_388 = arith.constant 0 : index
    %swap3A_389 = arith.constant 0 : index
    %swap3A_390 = vector.load %arg7[%swap3A_387, %swap3A_388, %swap3A_389] : memref<1x256x4096xf32, #tpu.memory_space<vmem>>, vector<1x256x4096xf32>
    %swap3A_391 = vector.shape_cast %swap3A_390 : vector<1x256x4096xf32> to vector<256x4096xf32>
    %swap3A_392 = vector.shape_cast %sub3A : vector<256x4096xf32> to vector<1x256x4096xf32>
    tpu.vector_store %arg7[%swap3A_387, %swap3A_388, %swap3A_389], %swap3A_392 {strides = array<i32>} : memref<1x256x4096xf32, #tpu.memory_space<vmem>>, vector<1x256x4096xf32>,
    return
  }
  func.func @transform_0(%arg0: i32, %arg1: i32) -> (i32, i32, i32) {
    %c0_i32 = arith.constant 0 : i32
    %c0_i32_0 = arith.constant 0 : i32
    return %arg0, %arg1, %c0_i32 : i32, i32, i32
  }
  func.func @transform_1(%arg0: i32, %arg1: i32) -> (i32, i32, i32) {
    %c0_i32 = arith.constant 0 : i32
    %c0_i32_0 = arith.constant 0 : i32
    return %arg0, %arg1, %c0_i32 : i32, i32, i32
  }
  func.func @transform_2(%arg0: i32, %arg1: i32) -> (i32, i32, i32) {
    %c0_i32 = arith.constant 0 : i32
    %c0_i32_0 = arith.constant 0 : i32
    %c0_i32_1 = arith.constant 0 : i32
    return %arg0, %c0_i32, %c0_i32_0 : i32, i32, i32
  }
  func.func @transform_3(%arg0: i32, %arg1: i32) -> (i32, i32, i32) {
    %c0_i32 = arith.constant 0 : i32
    %c0_i32_0 = arith.constant 0 : i32
    %c0_i32_1 = arith.constant 0 : i32
    return %arg0, %c0_i32, %c0_i32_0 : i32, i32, i32
  }
  func.func @transform_4(%arg0: i32, %arg1: i32) -> (i32, i32, i32) {
    %c0_i32 = arith.constant 0 : i32
    %c0_i32_0 = arith.constant 0 : i32
    return %arg0, %arg1, %c0_i32 : i32, i32, i32
  }
  func.func @transform_5(%arg0: i32, %arg1: i32) -> (i32, i32, i32) {
    %c0_i32 = arith.constant 0 : i32
    %c0_i32_0 = arith.constant 0 : i32
    return %arg0, %arg1, %c0_i32 : i32, i32, i32
  }
}

</mosaic_0001>

<sc_bundles>
// kernel: sparse-core-data-format-call.cloned.1.call-start
scs
called_computation_lowered:
.L_overlay_start_0:
0x0: {  	s2 =	sld [smem:$0x3FD9]  }
0x1: {  	s3 =	sld [smem:$0x3FFE];
	_ =	sdelay $0x1  }
0x2: {  	s1 =	srdreg.scid  }
0x3: {  	s0 =	sand.u32 $0x1, s1  }
0x4: {  	s16 =	sshll.u32 s0, $0xA;
	s2 =	sadd.s32 s3, s2  }
0x5: {  	s2 =	sadd.s32 s2, s16  }
0x6: {  	[smem:$0x3FC3] =	sst s2  }
0x7: {  	_ = 	snop  }
0x8: {  	s2 =	sld [smem:$0x3FD0];
	_ =	sdelay $0x2  }
0x9: {  	s17 =	simm.s32 $0xA;
	s4 =	simm.s32 $0x10  }
0xa: {  	[smem:s4], [sflag:s17] =	dma.local [hbm:s2], $0x1  }
0xb: {  	_ =	swait.eq [sflag:s17], $0x1  }
0xc: {  	[sflag:s17] =	ssyncset.done $0x0  }
0xd: {  	s18 =	sld [smem:$0x10];
	[sflag:s17] =	ssyncadd.s32 $0xFFFFFFFF  }
0xe: {  	s19 =	sld [smem:$0x11];
	(tm) =	ssettm $0x1  }
0xf: {  	s20 =	sld [smem:$0x3FFB];
	_ =	sdelay $0x3  }
0x10: {  	_ =	strace s20  }
0x11: {  	s4 =	sld [smem:$0x3FFC];
	_ =	sdelay $0x3  }
0x12: {  	_ =	strace s4  }
0x13: {  	s4 =	sld [smem:$0x3FFD];
	_ =	sdelay $0x3  }
0x14: {  	_ =	strace s4  }
0x15: {  	_ =	strace $0x8FFFFFFF  }
0x16: {  	s21 =	sld [smem:$0x3FDB];
	_ =	sdelay $0x1  }
0x17: {  	s5 =	simm.s32 $_scs_section_size  }
0x18: {  	s6 =	simm.s32 $_size__tile_overlayer_lowered;
	s7 =	simm.s32 $_tile_overlayer_lowered  }
0x19: {  	s24 =	simm.s32 $0x1BFF;
	s23 =	sshll.u32 s7, $0x1;
	s4 =	sadd.s32 s5, s21  }
0x1a: {  	s8 =	simm.s32 $0x0;
	s22 =	sshll.u32 s6, $0x1;
	s6 =	sadd.s32 s23, s4  }
0x1b: {  	[timem:s8], [sflag:s24] =	dma.local [hbm:s6], s22  }
0x1c: {  	_ =	swait.ge [sflag:s24], s22  }
0x1d: {  	s5 =	ssub.s32 $0x0, s22;
	[sflag:s24] =	ssyncset.done $0x0  }
0x1e: {  	[sflag:s24] =	ssyncadd.s32 s5;
	_ =	sdelay $0x1  }
0x1f: {  	s25 =	simm.s32 $0x1B8B  }
0x20: {  	_ =	swait.ge [sflag:s25], $0x1  }
0x21: {  	[sflag:s25] =	ssyncset.done $0x0  }
0x22: {  	s26 =	simm.s32 $0x1B8E;
	[sflag:s25] =	ssyncadd.s32 $0xFFFFFFFF  }
0x23: {  	s27 =	simm.s32 $execute0_lowered;
	[smem:$0x3FD2] =	sst s26  }
0x24: {  	s5 =	sshll.u32 s27, $0x1;
	_ =	strace $0x80000046;
	[dreg:$0x1] =	wrdreg $0xFFFFFFFF  }
0x25: {  	s28 =	simm.s32 $_size_execute0_lowered;
	s4 =	sadd.s32 s4, s5;
	[dreg:$0x0] =	wrdreg $0x0  }
0x26: {  	s5 =	sshll.u32 s28, $0x1;
	[dreg:$0x2] =	wrdreg s4  }
0x27: {  	[dreg:$0x3] =	wrdreg s5  }
0x28: {  	[dreg:$0x4] =	wrdreg $0xC0  }
0x29: {  	_ =	task [dreg:s8], $0x5FFFF  }
0x2a: {  	[dreg:$0x1] =	wrdreg $0xFFFFFFFF  }
0x2b: {  	[dreg:$0x0] =	wrdreg $0x60  }
0x2c: {  	[dreg:$0x2] =	wrdreg s18  }
0x2d: {  	[dreg:$0x3] =	wrdreg s19  }
0x2e: {  	[dreg:$0x4] =	wrdreg $0x9  }
0x2f: {  	_ =	task.clear_ibuf [dreg:s8], $0x5FFFF;
	_ =	strace $0x90000046  }
0x30: {  	s29 =	simm.s32 $0x9;
	_ =	strace $0x80000048  }
0x31: {  	_ =	swait.ge [sflag:s29], $0x1  }
0x32: {  	[sflag:s29] =	ssyncadd.s32 $0xFFFFFFFF  }
0x33: {  	_ =	strace $0x90000048  }
0x34: {  	_ =	sfence  }
0x35: {  	s30 =	sld [smem:$0x0];
	_ =	sdelay $0x2  }
0x36: {  	s31 =	sshll.u32 s1, $0xD;
	s1 =	sshrl.u32 s1, $0x2  }
0x37: {  	s3 =	sand.u32 $0x4000, s31;
	s1 =	sadd.s32 s1, s30  }
0x38: {  	s0 =	sor.u32 s3, s0;
	s1 =	sshll.u32 s1, $0x11  }
0x39: {  	s0 =	sor.u32 s1, s0  }
0x3a: {  	s0 =	sadd.s32 $0x8F2B, s0  }
0x3b: {  	[sflag:s0] =	ssyncadd.remote.s32 $0x1  }
0x3c: {  	_ =	sfence.sel $0xFFFF  }
0x3d: {  	[dreg:$0x0] =	wrdreg $0xFFFFFFFF;
	(pc) =	sbr.abs _section_cstart, $3  }
0x3e: {  	[dreg:$0x1] =	wrdreg $0xFFFFFFFF  }
0x3f: {  	_ =	task.clear_ibuf [dreg:s8], $0x2FFFF;
	_ =	strace $0x9FFFFFFF  }
0x40: {  	(tm) =	ssettm $0x7FFFFFFF  }
0x41: {  	_ =	shalt  }
tec
execute0_lowered:
.L_overlay_start_1:
0x0: {  	(tag) =	ssettag $0x1  }
0x1: {  	s0 =	stileid.u32  }
0x2: {  	s1 =	srdreg.scid;
	s3 =	rddreg [dreg:$0x0]  }
0x3: {  	s31 =	simm.s32 $0x2;
	s2 =	sshll.u32 s0, $0x6;
	s1 =	sshll.u32 s1, $0xA  }
0x4: {  	s16 =	simm.s32 $0x0;
	s9 =	simm.s32 $0x8000;
	s1 =	sor.u32 s2, s1  }
0x5: {  	s14 =	simm.s32 $0x0;
	s15 =	simm.s32 $0x0;
	s1 =	sand.u32 $0x780, s1  }
0x6: {  	s10 =	simm.s32 $0x0;
	s2 =	sand.u32 $0x1, s0;
	s4 =	ssub.s32 $0x1000, s1  }
0x7: {  	s13 =	simm.s32 $0x0;
	s5 =	ssub.s32 $0x2, s2;
	s6 =	sand.u32 $0x780, s4  }
0x8: {  	s7 =	sshrl.u32 s5, $0x1;
	p0 =	sne.s32 s6, $0x0;
	s6 =	simm.s32 $0x1  }
0x9: {  	s8 =	sand.u32 $0x1, s5;
	s4 =	sshrl.u32 s4, $0xB;
	s6 =	simm.s32 @!p0 $0x0  }
.Ltmp0:
0xa: {  	s7 =	sadd.s32 s8, s7;
	s6 =	sadd.s32 s6, s4;
	(pc) =	sbr.rel .LBB1_1-.Ltmp0, $4  }
0xb: {  	s12 =	smov.u32 s2;
	s5 =	rddreg [dreg:$0x1];
	s7 =	smul.u32 s6, s7  }
0xc: {  	s4 =	rddreg [dreg:$0x2];
	_ =	strace $0x80000047;
	s6 =	simm.s32 $0x1  }
0xd: {  	s11 =	smov.u32 s1;
	[sflag:s6] =	ssyncpa.u1 $0x0;
	s7 =	sshll.u32 s7, $0x5  }
0xe: {  	p0 =	por $0x0, $0x0;
	[sflag:s31] =	ssyncpa.u1 $0x0;
	s8 =	sor.u32 $0x1, s7  }
.LBB1_4:
0xf: {  	v5 =	vld [tilespmem:s19+$0xFFFFFFD0]  }
0x10: {  	[tilespmem:s20+$0x2040 ss:$0x81] =	vst.msk $0xffff, v1;
	v58 =	vld [tilespmem:s19+$0xFFFFFFE0]  }
0x11: {  	[tilespmem:s20+$0x2850 ss:$0x81] =	vst.msk $0xffff, v2;
	v59 =	vld [tilespmem:s19+$0xFFFFFFF0]  }
0x12: {  	s21 =	sshra.s32 s21, $0x2;
	[tilespmem:s20+$0x3060 ss:$0x81] =	vst.msk $0xffff, v3;
	v60 =	vld [tilespmem:s19+$0x0]  }
0x13: {  	[tilespmem:s20+$0x0 ss:$0x81] =	vst.msk $0xffff, v0;
	v61 =	vld [tilespmem:s19+$0x10];
	s18 =	sadd.s32 s21, s18  }
0x14: {  	s26 =	sshll.u32 s16, $0xC;
	v62 =	vld [tilespmem:s19+$0x20];
	[tilespmem:s18+$0x3870 ss:$0x81] =	vst.msk $0xffff, v4  }
0x15: {  	s27 =	sand.u32 $0x78, s14;
	s22 =	sshll.u32 s14, $0x3;
	v63 =	vld [tilespmem:s19+$0xFFFFFFC0];
	s29 =	sshll.u32 s16, $0x7;
	[tilespmem:s18+$0x810 ss:$0x81] =	vst.msk $0xffff, v5  }
0x16: {  	s15 =	sshll.u32 s15, $0x15;
	s20 =	sand.u32 $0xFF8000, s26;
	s28 =	sand.u32 $0xFFFC00, s22;
	[tilespmem:s18+$0x1020 ss:$0x81] =	vst.msk $0xffff, v58  }
0x17: {  	s31 =	sand.u32 $0x7, s14;
	s22 =	sand.u32 $0xC00, s22;
	s19 =	sadd.s32 s28, s20;
	[tilespmem:s18+$0x1830 ss:$0x81] =	vst.msk $0xffff, v59  }
0x18: {  	s16 =	sand.u32 $0x380, s29;
	s30 =	sor.u32 s27, s22;
	s19 =	sshrl.u32 s19, $0x3;
	[tilespmem:s18+$0x2040 ss:$0x81] =	vst.msk $0xffff, v60  }
0x19: {  	s15 =	sadd.s32 s5, s15;
	s16 =	sor.u32 s16, s30;
	s19 =	sand.u32 $0x1FFE00, s19;
	[tilespmem:s18+$0x2850 ss:$0x81] =	vst.msk $0xffff, v61  }
0x1a: {  	s14 =	sshll.u32 s31, $0x12;
	s16 =	sshrl.u32 s16, $0x3;
	[tilespmem:s18+$0x3060 ss:$0x81] =	vst.msk $0xffff, v62;
	s15 =	sadd.s32 s19, s15  }
0x1b: {  	s14 =	sor.u32 $0x400, s14;
	[tilespmem:s18+$0x0 ss:$0x81] =	vst.msk $0xffff, v63;
	s15 =	sadd.s32 s16, s15  }
0x1c: {  	[hbm4b:s15+s14] =	stream.strided.scatter [tilespmem:s17], [sflag:$0x2], $0x4000, s9, s14, $0x20;
	[tilespmem:$0x10100] =	vst v63  }
.LBB1_5:
0x1d: {  	s17 =	sadd.s32 $0x80, s10  }
0x1e: {  	s14 =	sadd.s32 $0x800, s11;
	s18 =	smov.u32 s11;
	p2 =	sgt.s32 s17, $0xFFF  }
0x1f: {  	s18 =	smov.u32 @p2 s14  }
0x20: {  	s20 =	smov.u32 s12;
	s14 =	sadd.s32 $0x2, s12;
	p3 =	sgt.s32 s18, $0xFFF  }
0x21: {  	s20 =	smov.u32 @p3 s14  }
0x22: {  	s17 =	simm.s32 @p2 $0x0;
	p2 =	sgt.s32 s20, $0x1  }
0x23: {  	p1 =	slt.u32 s13, $0x2;
	s20 =	smov.u32 @p2 s2;
	p2 =	sne.s32 s13, s8  }
.Ltmp1:
0x24: {  	s19 =	simm.s32 @!p1 $0x2;
	(pc) =	sbr.rel @!p2 .LBB1_6-.Ltmp1, $4  }
0x25: {  	s16 =	smov.u32 s10;
	s15 =	smov.u32 s12;
	_ =	swait.ge @!p1 [sflag:s19], $0x4000  }
0x26: {  	p0 =	por !p0, !p0;
	[sflag:s19] =	ssyncset.done @!p1 $0x0;
	s10 =	smov.u32 s17  }
0x27: {  	s18 =	smov.u32 @p3 s1;
	s14 =	smov.u32 s11;
	[sflag:s19] =	ssyncadd.s32 @!p1 $0xFFFFC000  }
0x28: {  	s11 =	smov.u32 s18;
	s13 =	sadd.s32 $0x1, s13;
	s12 =	smov.u32 s20  }
.LBB1_1:
0x29: {  	p1 =	sge.u32 s13, s7;
	s31 =	sadd.s32 $0xFFFFFFFF, s13  }
0x2a: {  	s17 =	sxor.u32 @!p1 $0xFFFFFFFF, s13;
	s18 =	sand.u32 @!p1 $0x78, s10;
	s19 =	sshll.u32 @!p1 s11, $0xC  }
0x2b: {  	s20 =	sshll.u32 @!p1 s11, $0x7;
	s21 =	sshll.u32 @!p1 s10, $0x3;
	s17 =	sshll.u32 @!p1 s17, $0xE  }
0x2c: {  	s19 =	sand.u32 @!p1 $0xFF8000, s19;
	s20 =	sand.u32 @!p1 $0x380, s20;
	s17 =	sand.u32 @!p1 $0x4000, s17  }
0x2d: {  	s19 =	sadd.s32 @!p1 s19, s21;
	s21 =	sand.u32 @!p1 $0xC00, s21;
	s18 =	sor.u32 @!p1 s20, s18  }
0x2e: {  	s20 =	sshll.u32 @!p1 s12, $0x15;
	s18 =	sor.u32 @!p1 s21, s18;
	s19 =	sshrl.u32 @!p1 s19, $0x3  }
0x2f: {  	s20 =	sadd.s32 @!p1 s3, s20;
	s21 =	sand.u32 @!p1 $0x7, s10;
	s19 =	sand.u32 @!p1 $0x1FFE00, s19  }
0x30: {  	s18 =	sshrl.u32 @!p1 s18, $0x3;
	s19 =	sadd.s32 @!p1 s19, s20;
	s20 =	sshll.u32 @!p1 s21, $0x12  }
0x31: {  	s18 =	sadd.s32 @!p1 s18, s19;
	s19 =	sor.u32 @!p1 $0x400, s20;
	s20 =	simm.s32 @!p1 $0x8000  }
0x32: {  	[tilespmem:s17], [sflag:$0x1] =	stream.strided.gather @!p1 [hbm4b:s18+s19], $0x4000, s20, s19, $0x38;
	[tilespmem:$0x10100] =	vst v63  }
0x33: {  	p1 =	sge.u32 s31, s7  }
.Ltmp2:
0x34: {  	_ = 	snop;
	(pc) =	sbr.rel @p1 .LBB1_5-.Ltmp2, $1  }
0x35: {  	_ =	sdelay $0x3  }
0x36: {  	s17 =	simm.s32 $0x1  }
0x37: {  	_ =	swait.ge [sflag:s6], $0x4000;
	s17 =	simm.s32 @!p0 $0x0  }
0x38: {  	[sflag:s6] =	ssyncset.done $0x0;
	s18 =	sshll.u32 s17, $0xE  }
0x39: {  	[sflag:s6] =	ssyncadd.s32 $0xFFFFC000;
	s19 =	sor.u32 $0x40, s18  }
0x3a: {  	s17 =	smul.u32 $0x10200, s17;
	v0 =	vld [tilespmem:s19+$0x30]  }
0x3b: {  	v3 =	vld [tilespmem:s19+$0xFFFFFFD0]  }
0x3c: {  	s17 =	sshrl.u32 s17, $0x2;
	v4 =	vld [tilespmem:s19+$0xFFFFFFE0]  }
0x3d: {  	v5 =	vld [tilespmem:s19+$0xFFFFFFF0];
	s18 =	sor.u32 $0x8000, s17  }
0x3e: {  	s31 =	sand.u32 $0x1, s13;
	v1 =	vld [tilespmem:s19+$0x0];
	s20 =	sadd.s32 $0x0, s18  }
0x3f: {  	v2 =	vld [tilespmem:s19+$0x10];
	s17 =	smul.u32 $0x10200, s31;
	[tilespmem:s20+$0x3870 ss:$0x81] =	vst.msk $0xffff, v0  }
0x40: {  	[tilespmem:s20+$0x810 ss:$0x81] =	vst.msk $0xffff, v3;
	v3 =	vld [tilespmem:s19+$0x20]  }
0x41: {  	s17 =	sshrl.u32 s17, $0x2;
	v0 =	vld [tilespmem:s19+$0xFFFFFFC0];
	[tilespmem:s20+$0x1020 ss:$0x81] =	vst.msk $0xffff, v4;
	s19 =	sadd.s32 $0x80, s19  }
0x42: {  	s21 =	simm.s32 $0x4;
	s22 =	simm.s32 $0x8;
	s17 =	sor.u32 $0x8000, s17;
	[tilespmem:s20+$0x1830 ss:$0x81] =	vst.msk $0xffff, v5;
	v4 =	vld [tilespmem:s19+$0x30]  }
.LBB1_3:
0x43: {  	p1 =	sne.s32 s22, $0x1FC;
	v5 =	vld [tilespmem:s19+$0xFFFFFFD0];
	[tilespmem:s20+$0x2040 ss:$0x81] =	vst.msk $0xffff, v1  }
0x44: {  	v6 =	vld [tilespmem:s19+$0xFFFFFFE0];
	[tilespmem:s20+$0x2850 ss:$0x81] =	vst.msk $0xffff, v2  }
0x45: {  	s23 =	sshra.s32 s21, $0x2;
	s21 =	smov.u32 s22;
	v7 =	vld [tilespmem:s19+$0xFFFFFFF0];
	[tilespmem:s20+$0x3060 ss:$0x81] =	vst.msk $0xffff, v3  }
.Ltmp3:
0x46: {  	v1 =	vld [tilespmem:s19+$0x0];
	[tilespmem:s20+$0x0 ss:$0x81] =	vst.msk $0xffff, v0;
	s20 =	sadd.s32 s23, s18;
	(pc) =	sbr.rel @p1 .LBB1_3-.Ltmp3, $4  }
0x47: {  	v2 =	vld [tilespmem:s19+$0x10];
	[tilespmem:s20+$0x3870 ss:$0x81] =	vst.msk $0xffff, v4  }
0x48: {  	[tilespmem:s20+$0x810 ss:$0x81] =	vst.msk $0xffff, v5;
	v3 =	vld [tilespmem:s19+$0x20]  }
0x49: {  	v0 =	vld [tilespmem:s19+$0xFFFFFFC0];
	[tilespmem:s20+$0x1020 ss:$0x81] =	vst.msk $0xffff, v6;
	s19 =	sadd.s32 $0x80, s19  }
0x4a: {  	s22 =	sadd.s32 $0x4, s22;
	v4 =	vld [tilespmem:s19+$0x30];
	[tilespmem:s20+$0x1830 ss:$0x81] =	vst.msk $0xffff, v7  }
.Ltmp4:
0x4b: {  	_ = 	snop;
	(pc) =	sbr.rel .LBB1_4-.Ltmp4, $1  }
0x4c: {  	_ =	sdelay $0x3  }
.LBB1_6:
0x4d: {  	_ =	sfence.sel $0x180000  }
0x4e: {  	s1 =	simm.s32 $0x1;
	[bflag:$0x0] =	sbarrier.arrive $0xFFFF  }
0x4f: {  	s31 =	simm.s32 $0x2;
	[sflag:s1] =	ssyncpa.u1 $0x1  }
0x50: {  	[sflag:s31] =	ssyncpa.u1 $0x1  }
0x51: {  	p0 =	sne.s32 s0, $0x0;
	_ =	strace $0x90000047  }
0x52: {  	s0 =	sadd.s32 @!p0 $0x100000, s4;
	[bflag:$0x2] =	sbarrier.arrive $0xFFFF  }
0x53: {  	[sflag:s0] =	ssyncadd.tile.s32 @!p0 $0x1;
	_ =	shalt  }
.Lfunc_end1:
_tile_overlayer_lowered:
.L_overlay_start_2:
0x54: {  	(tag) =	ssettag $0x2  }
0x55: {  	s0 =	rddreg [dreg:$0x0];
	s2 =	stileid.u32  }
0x56: {  	s1 =	rddreg [dreg:$0x1];
	p0 =	sne.s32 s2, $0x0  }
0x57: {  	s3 =	rddreg [dreg:$0x2];
	[bflag:$0x3] =	sbarrier.arrive $0xFFFF;
	s2 =	simm.s32 @!p0 $0x1C01  }
0x58: {  	[timem:s3], [sflag:s2] =	dma.local @!p0 [hbm:s0], s1  }
0x59: {  	s0 =	simm.s32 @!p0 $0x1  }
0x5a: {  	_ =	swait.ge @!p0 [sflag:s0], s1  }
0x5b: {  	s1 =	ssub.s32 @!p0 $0x0, s1;
	[sflag:s0] =	ssyncset.done @!p0 $0x0  }
0x5c: {  	[sflag:s0] =	ssyncadd.s32 @!p0 s1  }
0x5d: {  	[bflag:$0x3] =	sbarrier.arrive $0xFFFF  }
0x5e: {  	_ =	shalt  }

</sc_bundles>
